<compile_context>
chip_gen: v7x
topology: tpu7x:2x2x1
jax: 0.10.2.dev20260603
libtpu: 0.0.44.dev20260713+nightly
codegen_flags: <defaults>
</compile_context>

<pallas_src>
import jax
import jax.numpy as jnp
from jax import lax
from jax.experimental import pallas as pl
from jax.experimental.pallas import tpu as pltpu
from jax.experimental.pallas import tpu_sc as plsc

_NC = 2
_NS = 16
_NW = _NC * _NS
_G = 2
_NBUF = 4


def _make_body(batch, seq, embed, bc):
  n_stages = seq // _G

  def body(xt_hbm, table_hbm, out_hbm, idx_bufs, row_bufs, gsems, wsems):
    wid = lax.axis_index("s") * _NC + lax.axis_index("c")
    b0 = wid * bc

    def start_gather(t, k):
      s0 = t * _G
      for i in range(_G):
        pltpu.sync_copy(xt_hbm.at[s0 + i, pl.ds(b0, bc)],
                        idx_bufs[k].at[pl.ds(i * bc, bc)])
      pltpu.async_copy(table_hbm.at[idx_bufs[k]], row_bufs[k], gsems[k])

    def wait_gather(k):
      pltpu.make_async_copy(
          table_hbm.at[idx_bufs[k]], row_bufs[k], gsems[k]).wait()

    def write_descs(t, k):
      for i in range(_G):
        yield (row_bufs[k].at[pl.ds(i * bc, bc)],
               out_hbm.at[pl.ds((t * _G + i) * batch + b0, bc)], wsems[k])

    def fire_writes(t, k):
      for src, dst, sem in write_descs(t, k):
        pltpu.async_copy(src, dst, sem)

    def wait_writes(t, k):
      for src, dst, sem in write_descs(t, k):
        pltpu.make_async_copy(src, dst, sem).wait()

    for k in range(_NBUF):
      start_gather(k, k)

    def step(g, carry):
      for k in range(_NBUF):
        t = g * _NBUF + k
        kprev = (k - 1) % _NBUF
        wait_gather(k)
        fire_writes(t, k)

        @pl.when((t >= 1) & (t + _NBUF - 1 < n_stages))
        def _():
          wait_writes(t - 1, kprev)
          start_gather(t - 1 + _NBUF, kprev)
      return carry

    lax.fori_loop(0, n_stages // _NBUF, step, None)

    for k in range(_NBUF):
      wait_writes(n_stages - _NBUF + k, k)

  return body


@jax.jit
def kernel(x, table):
  batch, seq = x.shape
  _, embed = table.shape
  bc = batch // _NW
  x_t = jnp.swapaxes(x, 0, 1)

  mesh = plsc.VectorSubcoreMesh(core_axis_name="c", subcore_axis_name="s")
  out = pl.kernel(
      _make_body(batch, seq, embed, bc),
      out_type=jax.ShapeDtypeStruct((seq * batch, embed), jnp.float32),
      mesh=mesh,
      compiler_params=pltpu.CompilerParams(
          needs_layout_passes=False, use_tc_tiling_on_sc=False),
      scratch_types=[
          [pltpu.VMEM((_G * bc,), jnp.int32) for _ in range(_NBUF)],
          [pltpu.VMEM((_G * bc, embed), jnp.float32) for _ in range(_NBUF)],
          [pltpu.SemaphoreType.DMA for _ in range(_NBUF)],
          [pltpu.SemaphoreType.DMA for _ in range(_NBUF)],
      ],
  )(x_t, table)
  return out.reshape(seq, batch, embed)

# --- scband reference (transcript-rebuilt; emitter-appended) ---
"""Pipeline reference for scband-embedding-layer-8787503088207 (READ-ONLY COPY).

The authoritative reference and input builder live on the scoring server;
editing this copy changes nothing except your own understanding.
"""

import jax, jax.numpy as jnp
import numpy as np

VOCAB = 1000000
EMBED_DIM = 64
BATCH = 4096
SEQ_LEN = 200
PAD_IDX = 0


def setup_inputs(seed: int = 0) -> dict:
    key = jax.random.key(seed)
    k_idx, k_tab = jax.random.split(key)
    x = jax.random.randint(k_idx, (BATCH, SEQ_LEN), 0, VOCAB, dtype=jnp.int64 if jax.config.jax_enable_x64 else jnp.int32).astype(jnp.int32)
    table = jax.random.normal(k_tab, (VOCAB, EMBED_DIM), dtype=jnp.float32)
    # nn.Embedding with padding_idx zeroes the padding row at init
    table = table.at[PAD_IDX].set(0.0)
    return {"x": x, "table": table}


def reference(x, table):
    # x: (batch, seq_len) int indices
    # embedding lookup -> (batch, seq_len, embed_dim)
    out = jnp.take(table, x, axis=0)
    # permute(1, 0, 2) -> (seq_len, batch, embed_dim)
    out = jnp.transpose(out, (1, 0, 2))
    return out

if __name__ == "__main__":
    import jax
    _d = setup_inputs()
    print(jax.jit(kernel)(*tuple(_d.values())))

</pallas_src>

<mosaic_0001>
#map = affine_map<(d0, d1) -> (0, 0)>
module attributes {stable_mosaic.version = 14 : i64} {
  func.func @body(%arg0: i32, %arg1: i32, %arg2: memref<200x4096xi32, #tpu.memory_space<hbm>>, %arg3: memref<1000000x64xf32, #tpu.memory_space<hbm>>, %arg4: memref<819200x64xf32, #tpu.memory_space<hbm>>, %arg5: memref<256xi32, #tpu.memory_space<vmem>>, %arg6: memref<256xi32, #tpu.memory_space<vmem>>, %arg7: memref<256xi32, #tpu.memory_space<vmem>>, %arg8: memref<256xi32, #tpu.memory_space<vmem>>, %arg9: memref<256x64xf32, #tpu.memory_space<vmem>>, %arg10: memref<256x64xf32, #tpu.memory_space<vmem>>, %arg11: memref<256x64xf32, #tpu.memory_space<vmem>>, %arg12: memref<256x64xf32, #tpu.memory_space<vmem>>, %arg13: memref<!tpu.dma_semaphore, #tpu.memory_space<semaphore_mem>>, %arg14: memref<!tpu.dma_semaphore, #tpu.memory_space<semaphore_mem>>, %arg15: memref<!tpu.dma_semaphore, #tpu.memory_space<semaphore_mem>>, %arg16: memref<!tpu.dma_semaphore, #tpu.memory_space<semaphore_mem>>, %arg17: memref<!tpu.dma_semaphore, #tpu.memory_space<semaphore_mem>>, %arg18: memref<!tpu.dma_semaphore, #tpu.memory_space<semaphore_mem>>, %arg19: memref<!tpu.dma_semaphore, #tpu.memory_space<semaphore_mem>>, %arg20: memref<!tpu.dma_semaphore, #tpu.memory_space<semaphore_mem>>) attributes {dimension_semantics = [#tpu.dimension_semantics<core_parallel>, #tpu.dimension_semantics<subcore_parallel>], iteration_bounds = array<i64: 2, 16>, scalar_prefetch = 0 : i64, scratch_operands = 16 : i64, tpu.core_type = #tpu.core_type<sc_vector_subcore>, window_params = [{transform_indices = #map}, {transform_indices = #map}, {transform_indices = #map}]} {
    %mul3A = arith.constant 2 : i32
    %mul3A_0 = arith.muli %arg1, %mul3A : i32
    %add3A = arith.addi %mul3A_0, %arg0 : i32
    %mul3A_1 = arith.constant 128 : i32
    %mul3A_2 = arith.muli %add3A, %mul3A_1 : i32
    %run_scoped3A = arith.constant 0 : i32
    "tpu.region"() ({
      %run_scoped3A_120 = tpu.sem_alloc : memref<!tpu.dma_semaphore, #tpu.memory_space<semaphore_mem>>
      %dma_start3A_121 = arith.constant 0 : i32
      %dma_start3A_122 = tpu.memref_slice %arg5[%dma_start3A_121] : memref<256xi32, #tpu.memory_space<vmem>> -> memref<128xi32, #tpu.memory_space<vmem>>
      %dma_start3A_123 = tpu.memref_slice %arg2[%run_scoped3A, %mul3A_2] : memref<200x4096xi32, #tpu.memory_space<hbm>> -> memref<1x128xi32, #tpu.memory_space<hbm>>
      %dma_start3A_124 = tpu.memref_squeeze %dma_start3A_123 : memref<1x128xi32, #tpu.memory_space<hbm>> -> memref<128xi32, #tpu.memory_space<hbm>>
      %dma_start3A_125 = arith.constant 0 : i32
      %dma_start3A_126 = tpu.memref_slice %arg5[%dma_start3A_125] : memref<256xi32, #tpu.memory_space<vmem>> -> memref<128xi32, #tpu.memory_space<vmem>>
      %dma_start3A_127 = tpu.memref_slice %arg2[%run_scoped3A, %mul3A_2] : memref<200x4096xi32, #tpu.memory_space<hbm>> -> memref<1x128xi32, #tpu.memory_space<hbm>>
      %dma_start3A_128 = tpu.memref_squeeze %dma_start3A_127 : memref<1x128xi32, #tpu.memory_space<hbm>> -> memref<128xi32, #tpu.memory_space<hbm>>
      tpu.enqueue_dma source(%dma_start3A_128 : memref<128xi32, #tpu.memory_space<hbm>>) target(%dma_start3A_126 : memref<128xi32, #tpu.memory_space<vmem>>) target_semaphore(%run_scoped3A_120 : memref<!tpu.dma_semaphore, #tpu.memory_space<semaphore_mem>>)
      %dma_wait3A_129 = arith.constant 0 : i32
      %dma_wait3A_130 = tpu.memref_slice %arg5[%dma_wait3A_129] : memref<256xi32, #tpu.memory_space<vmem>> -> memref<128xi32, #tpu.memory_space<vmem>>
      %dma_wait3A_131 = tpu.memref_slice %arg2[%run_scoped3A, %mul3A_2] : memref<200x4096xi32, #tpu.memory_space<hbm>> -> memref<1x128xi32, #tpu.memory_space<hbm>>
      %dma_wait3A_132 = tpu.memref_squeeze %dma_wait3A_131 : memref<1x128xi32, #tpu.memory_space<hbm>> -> memref<128xi32, #tpu.memory_space<hbm>>
      %dma_wait3A_133 = arith.constant 0 : i32
      %dma_wait3A_134 = tpu.memref_slice %arg5[%dma_wait3A_133] : memref<256xi32, #tpu.memory_space<vmem>> -> memref<128xi32, #tpu.memory_space<vmem>>
      %dma_wait3A_135 = tpu.memref_slice %arg2[%run_scoped3A, %mul3A_2] : memref<200x4096xi32, #tpu.memory_space<hbm>> -> memref<1x128xi32, #tpu.memory_space<hbm>>
      %dma_wait3A_136 = tpu.memref_squeeze %dma_wait3A_135 : memref<1x128xi32, #tpu.memory_space<hbm>> -> memref<128xi32, #tpu.memory_space<hbm>>
      tpu.wait_dma2 semaphore(%run_scoped3A_120 : memref<!tpu.dma_semaphore, #tpu.memory_space<semaphore_mem>>) src(%dma_wait3A_136 : memref<128xi32, #tpu.memory_space<hbm>>) dst(%dma_wait3A_134 : memref<128xi32, #tpu.memory_space<vmem>>)
      tpu.yield
    }) : () -> ()
    %run_scoped3A_3 = arith.constant 1 : i32
    "tpu.region"() ({
      %run_scoped3A_120 = tpu.sem_alloc : memref<!tpu.dma_semaphore, #tpu.memory_space<semaphore_mem>>
      %dma_start3A_121 = arith.constant 128 : i32
      %dma_start3A_122 = tpu.memref_slice %arg5[%dma_start3A_121] : memref<256xi32, #tpu.memory_space<vmem>> -> memref<128xi32, #tpu.memory_space<vmem>>
      %dma_start3A_123 = tpu.memref_slice %arg2[%run_scoped3A_3, %mul3A_2] : memref<200x4096xi32, #tpu.memory_space<hbm>> -> memref<1x128xi32, #tpu.memory_space<hbm>>
      %dma_start3A_124 = tpu.memref_squeeze %dma_start3A_123 : memref<1x128xi32, #tpu.memory_space<hbm>> -> memref<128xi32, #tpu.memory_space<hbm>>
      %dma_start3A_125 = arith.constant 128 : i32
      %dma_start3A_126 = tpu.memref_slice %arg5[%dma_start3A_125] : memref<256xi32, #tpu.memory_space<vmem>> -> memref<128xi32, #tpu.memory_space<vmem>>
      %dma_start3A_127 = tpu.memref_slice %arg2[%run_scoped3A_3, %mul3A_2] : memref<200x4096xi32, #tpu.memory_space<hbm>> -> memref<1x128xi32, #tpu.memory_space<hbm>>
      %dma_start3A_128 = tpu.memref_squeeze %dma_start3A_127 : memref<1x128xi32, #tpu.memory_space<hbm>> -> memref<128xi32, #tpu.memory_space<hbm>>
      tpu.enqueue_dma source(%dma_start3A_128 : memref<128xi32, #tpu.memory_space<hbm>>) target(%dma_start3A_126 : memref<128xi32, #tpu.memory_space<vmem>>) target_semaphore(%run_scoped3A_120 : memref<!tpu.dma_semaphore, #tpu.memory_space<semaphore_mem>>)
      %dma_wait3A_129 = arith.constant 128 : i32
      %dma_wait3A_130 = tpu.memref_slice %arg5[%dma_wait3A_129] : memref<256xi32, #tpu.memory_space<vmem>> -> memref<128xi32, #tpu.memory_space<vmem>>
      %dma_wait3A_131 = tpu.memref_slice %arg2[%run_scoped3A_3, %mul3A_2] : memref<200x4096xi32, #tpu.memory_space<hbm>> -> memref<1x128xi32, #tpu.memory_space<hbm>>
      %dma_wait3A_132 = tpu.memref_squeeze %dma_wait3A_131 : memref<1x128xi32, #tpu.memory_space<hbm>> -> memref<128xi32, #tpu.memory_space<hbm>>
      %dma_wait3A_133 = arith.constant 128 : i32
      %dma_wait3A_134 = tpu.memref_slice %arg5[%dma_wait3A_133] : memref<256xi32, #tpu.memory_space<vmem>> -> memref<128xi32, #tpu.memory_space<vmem>>
      %dma_wait3A_135 = tpu.memref_slice %arg2[%run_scoped3A_3, %mul3A_2] : memref<200x4096xi32, #tpu.memory_space<hbm>> -> memref<1x128xi32, #tpu.memory_space<hbm>>
      %dma_wait3A_136 = tpu.memref_squeeze %dma_wait3A_135 : memref<1x128xi32, #tpu.memory_space<hbm>> -> memref<128xi32, #tpu.memory_space<hbm>>
      tpu.wait_dma2 semaphore(%run_scoped3A_120 : memref<!tpu.dma_semaphore, #tpu.memory_space<semaphore_mem>>) src(%dma_wait3A_136 : memref<128xi32, #tpu.memory_space<hbm>>) dst(%dma_wait3A_134 : memref<128xi32, #tpu.memory_space<vmem>>)
      tpu.yield
    }) : () -> ()
    %dma_start3A = arith.constant 0 : i32
    %dma_start3A_4 = arith.constant 0 : i32
    %dma_start3A_5 = tpu.memref_slice %arg3[%dma_start3A, %dma_start3A_4] : memref<1000000x64xf32, #tpu.memory_space<hbm>> -> memref<1000000x64xf32, #tpu.memory_space<hbm>>
    tpu.enqueue_indirect_dma source(%dma_start3A_5 : memref<1000000x64xf32, #tpu.memory_space<hbm>>) target(%arg9 : memref<256x64xf32, #tpu.memory_space<vmem>>) offsets(%arg5 : memref<256xi32, #tpu.memory_space<vmem>>) semaphore(%arg13 : memref<!tpu.dma_semaphore, #tpu.memory_space<semaphore_mem>>)
    %run_scoped3A_6 = arith.constant 2 : i32
    "tpu.region"() ({
      %run_scoped3A_120 = tpu.sem_alloc : memref<!tpu.dma_semaphore, #tpu.memory_space<semaphore_mem>>
      %dma_start3A_121 = arith.constant 0 : i32
      %dma_start3A_122 = tpu.memref_slice %arg6[%dma_start3A_121] : memref<256xi32, #tpu.memory_space<vmem>> -> memref<128xi32, #tpu.memory_space<vmem>>
      %dma_start3A_123 = tpu.memref_slice %arg2[%run_scoped3A_6, %mul3A_2] : memref<200x4096xi32, #tpu.memory_space<hbm>> -> memref<1x128xi32, #tpu.memory_space<hbm>>
      %dma_start3A_124 = tpu.memref_squeeze %dma_start3A_123 : memref<1x128xi32, #tpu.memory_space<hbm>> -> memref<128xi32, #tpu.memory_space<hbm>>
      %dma_start3A_125 = arith.constant 0 : i32
      %dma_start3A_126 = tpu.memref_slice %arg6[%dma_start3A_125] : memref<256xi32, #tpu.memory_space<vmem>> -> memref<128xi32, #tpu.memory_space<vmem>>
      %dma_start3A_127 = tpu.memref_slice %arg2[%run_scoped3A_6, %mul3A_2] : memref<200x4096xi32, #tpu.memory_space<hbm>> -> memref<1x128xi32, #tpu.memory_space<hbm>>
      %dma_start3A_128 = tpu.memref_squeeze %dma_start3A_127 : memref<1x128xi32, #tpu.memory_space<hbm>> -> memref<128xi32, #tpu.memory_space<hbm>>
      tpu.enqueue_dma source(%dma_start3A_128 : memref<128xi32, #tpu.memory_space<hbm>>) target(%dma_start3A_126 : memref<128xi32, #tpu.memory_space<vmem>>) target_semaphore(%run_scoped3A_120 : memref<!tpu.dma_semaphore, #tpu.memory_space<semaphore_mem>>)
      %dma_wait3A_129 = arith.constant 0 : i32
      %dma_wait3A_130 = tpu.memref_slice %arg6[%dma_wait3A_129] : memref<256xi32, #tpu.memory_space<vmem>> -> memref<128xi32, #tpu.memory_space<vmem>>
      %dma_wait3A_131 = tpu.memref_slice %arg2[%run_scoped3A_6, %mul3A_2] : memref<200x4096xi32, #tpu.memory_space<hbm>> -> memref<1x128xi32, #tpu.memory_space<hbm>>
      %dma_wait3A_132 = tpu.memref_squeeze %dma_wait3A_131 : memref<1x128xi32, #tpu.memory_space<hbm>> -> memref<128xi32, #tpu.memory_space<hbm>>
      %dma_wait3A_133 = arith.constant 0 : i32
      %dma_wait3A_134 = tpu.memref_slice %arg6[%dma_wait3A_133] : memref<256xi32, #tpu.memory_space<vmem>> -> memref<128xi32, #tpu.memory_space<vmem>>
      %dma_wait3A_135 = tpu.memref_slice %arg2[%run_scoped3A_6, %mul3A_2] : memref<200x4096xi32, #tpu.memory_space<hbm>> -> memref<1x128xi32, #tpu.memory_space<hbm>>
      %dma_wait3A_136 = tpu.memref_squeeze %dma_wait3A_135 : memref<1x128xi32, #tpu.memory_space<hbm>> -> memref<128xi32, #tpu.memory_space<hbm>>
      tpu.wait_dma2 semaphore(%run_scoped3A_120 : memref<!tpu.dma_semaphore, #tpu.memory_space<semaphore_mem>>) src(%dma_wait3A_136 : memref<128xi32, #tpu.memory_space<hbm>>) dst(%dma_wait3A_134 : memref<128xi32, #tpu.memory_space<vmem>>)
      tpu.yield
    }) : () -> ()
    %run_scoped3A_7 = arith.constant 3 : i32
    "tpu.region"() ({
      %run_scoped3A_120 = tpu.sem_alloc : memref<!tpu.dma_semaphore, #tpu.memory_space<semaphore_mem>>
      %dma_start3A_121 = arith.constant 128 : i32
      %dma_start3A_122 = tpu.memref_slice %arg6[%dma_start3A_121] : memref<256xi32, #tpu.memory_space<vmem>> -> memref<128xi32, #tpu.memory_space<vmem>>
      %dma_start3A_123 = tpu.memref_slice %arg2[%run_scoped3A_7, %mul3A_2] : memref<200x4096xi32, #tpu.memory_space<hbm>> -> memref<1x128xi32, #tpu.memory_space<hbm>>
      %dma_start3A_124 = tpu.memref_squeeze %dma_start3A_123 : memref<1x128xi32, #tpu.memory_space<hbm>> -> memref<128xi32, #tpu.memory_space<hbm>>
      %dma_start3A_125 = arith.constant 128 : i32
      %dma_start3A_126 = tpu.memref_slice %arg6[%dma_start3A_125] : memref<256xi32, #tpu.memory_space<vmem>> -> memref<128xi32, #tpu.memory_space<vmem>>
      %dma_start3A_127 = tpu.memref_slice %arg2[%run_scoped3A_7, %mul3A_2] : memref<200x4096xi32, #tpu.memory_space<hbm>> -> memref<1x128xi32, #tpu.memory_space<hbm>>
      %dma_start3A_128 = tpu.memref_squeeze %dma_start3A_127 : memref<1x128xi32, #tpu.memory_space<hbm>> -> memref<128xi32, #tpu.memory_space<hbm>>
      tpu.enqueue_dma source(%dma_start3A_128 : memref<128xi32, #tpu.memory_space<hbm>>) target(%dma_start3A_126 : memref<128xi32, #tpu.memory_space<vmem>>) target_semaphore(%run_scoped3A_120 : memref<!tpu.dma_semaphore, #tpu.memory_space<semaphore_mem>>)
      %dma_wait3A_129 = arith.constant 128 : i32
      %dma_wait3A_130 = tpu.memref_slice %arg6[%dma_wait3A_129] : memref<256xi32, #tpu.memory_space<vmem>> -> memref<128xi32, #tpu.memory_space<vmem>>
      %dma_wait3A_131 = tpu.memref_slice %arg2[%run_scoped3A_7, %mul3A_2] : memref<200x4096xi32, #tpu.memory_space<hbm>> -> memref<1x128xi32, #tpu.memory_space<hbm>>
      %dma_wait3A_132 = tpu.memref_squeeze %dma_wait3A_131 : memref<1x128xi32, #tpu.memory_space<hbm>> -> memref<128xi32, #tpu.memory_space<hbm>>
      %dma_wait3A_133 = arith.constant 128 : i32
      %dma_wait3A_134 = tpu.memref_slice %arg6[%dma_wait3A_133] : memref<256xi32, #tpu.memory_space<vmem>> -> memref<128xi32, #tpu.memory_space<vmem>>
      %dma_wait3A_135 = tpu.memref_slice %arg2[%run_scoped3A_7, %mul3A_2] : memref<200x4096xi32, #tpu.memory_space<hbm>> -> memref<1x128xi32, #tpu.memory_space<hbm>>
      %dma_wait3A_136 = tpu.memref_squeeze %dma_wait3A_135 : memref<1x128xi32, #tpu.memory_space<hbm>> -> memref<128xi32, #tpu.memory_space<hbm>>
      tpu.wait_dma2 semaphore(%run_scoped3A_120 : memref<!tpu.dma_semaphore, #tpu.memory_space<semaphore_mem>>) src(%dma_wait3A_136 : memref<128xi32, #tpu.memory_space<hbm>>) dst(%dma_wait3A_134 : memref<128xi32, #tpu.memory_space<vmem>>)
      tpu.yield
    }) : () -> ()
    %dma_start3A_8 = arith.constant 0 : i32
    %dma_start3A_9 = arith.constant 0 : i32
    %dma_start3A_10 = tpu.memref_slice %arg3[%dma_start3A_8, %dma_start3A_9] : memref<1000000x64xf32, #tpu.memory_space<hbm>> -> memref<1000000x64xf32, #tpu.memory_space<hbm>>
    tpu.enqueue_indirect_dma source(%dma_start3A_10 : memref<1000000x64xf32, #tpu.memory_space<hbm>>) target(%arg10 : memref<256x64xf32, #tpu.memory_space<vmem>>) offsets(%arg6 : memref<256xi32, #tpu.memory_space<vmem>>) semaphore(%arg14 : memref<!tpu.dma_semaphore, #tpu.memory_space<semaphore_mem>>)
    %run_scoped3A_11 = arith.constant 4 : i32
    "tpu.region"() ({
      %run_scoped3A_120 = tpu.sem_alloc : memref<!tpu.dma_semaphore, #tpu.memory_space<semaphore_mem>>
      %dma_start3A_121 = arith.constant 0 : i32
      %dma_start3A_122 = tpu.memref_slice %arg7[%dma_start3A_121] : memref<256xi32, #tpu.memory_space<vmem>> -> memref<128xi32, #tpu.memory_space<vmem>>
      %dma_start3A_123 = tpu.memref_slice %arg2[%run_scoped3A_11, %mul3A_2] : memref<200x4096xi32, #tpu.memory_space<hbm>> -> memref<1x128xi32, #tpu.memory_space<hbm>>
      %dma_start3A_124 = tpu.memref_squeeze %dma_start3A_123 : memref<1x128xi32, #tpu.memory_space<hbm>> -> memref<128xi32, #tpu.memory_space<hbm>>
      %dma_start3A_125 = arith.constant 0 : i32
      %dma_start3A_126 = tpu.memref_slice %arg7[%dma_start3A_125] : memref<256xi32, #tpu.memory_space<vmem>> -> memref<128xi32, #tpu.memory_space<vmem>>
      %dma_start3A_127 = tpu.memref_slice %arg2[%run_scoped3A_11, %mul3A_2] : memref<200x4096xi32, #tpu.memory_space<hbm>> -> memref<1x128xi32, #tpu.memory_space<hbm>>
      %dma_start3A_128 = tpu.memref_squeeze %dma_start3A_127 : memref<1x128xi32, #tpu.memory_space<hbm>> -> memref<128xi32, #tpu.memory_space<hbm>>
      tpu.enqueue_dma source(%dma_start3A_128 : memref<128xi32, #tpu.memory_space<hbm>>) target(%dma_start3A_126 : memref<128xi32, #tpu.memory_space<vmem>>) target_semaphore(%run_scoped3A_120 : memref<!tpu.dma_semaphore, #tpu.memory_space<semaphore_mem>>)
      %dma_wait3A_129 = arith.constant 0 : i32
      %dma_wait3A_130 = tpu.memref_slice %arg7[%dma_wait3A_129] : memref<256xi32, #tpu.memory_space<vmem>> -> memref<128xi32, #tpu.memory_space<vmem>>
      %dma_wait3A_131 = tpu.memref_slice %arg2[%run_scoped3A_11, %mul3A_2] : memref<200x4096xi32, #tpu.memory_space<hbm>> -> memref<1x128xi32, #tpu.memory_space<hbm>>
      %dma_wait3A_132 = tpu.memref_squeeze %dma_wait3A_131 : memref<1x128xi32, #tpu.memory_space<hbm>> -> memref<128xi32, #tpu.memory_space<hbm>>
      %dma_wait3A_133 = arith.constant 0 : i32
      %dma_wait3A_134 = tpu.memref_slice %arg7[%dma_wait3A_133] : memref<256xi32, #tpu.memory_space<vmem>> -> memref<128xi32, #tpu.memory_space<vmem>>
      %dma_wait3A_135 = tpu.memref_slice %arg2[%run_scoped3A_11, %mul3A_2] : memref<200x4096xi32, #tpu.memory_space<hbm>> -> memref<1x128xi32, #tpu.memory_space<hbm>>
      %dma_wait3A_136 = tpu.memref_squeeze %dma_wait3A_135 : memref<1x128xi32, #tpu.memory_space<hbm>> -> memref<128xi32, #tpu.memory_space<hbm>>
      tpu.wait_dma2 semaphore(%run_scoped3A_120 : memref<!tpu.dma_semaphore, #tpu.memory_space<semaphore_mem>>) src(%dma_wait3A_136 : memref<128xi32, #tpu.memory_space<hbm>>) dst(%dma_wait3A_134 : memref<128xi32, #tpu.memory_space<vmem>>)
      tpu.yield
    }) : () -> ()
    %run_scoped3A_12 = arith.constant 5 : i32
    "tpu.region"() ({
      %run_scoped3A_120 = tpu.sem_alloc : memref<!tpu.dma_semaphore, #tpu.memory_space<semaphore_mem>>
      %dma_start3A_121 = arith.constant 128 : i32
      %dma_start3A_122 = tpu.memref_slice %arg7[%dma_start3A_121] : memref<256xi32, #tpu.memory_space<vmem>> -> memref<128xi32, #tpu.memory_space<vmem>>
      %dma_start3A_123 = tpu.memref_slice %arg2[%run_scoped3A_12, %mul3A_2] : memref<200x4096xi32, #tpu.memory_space<hbm>> -> memref<1x128xi32, #tpu.memory_space<hbm>>
      %dma_start3A_124 = tpu.memref_squeeze %dma_start3A_123 : memref<1x128xi32, #tpu.memory_space<hbm>> -> memref<128xi32, #tpu.memory_space<hbm>>
      %dma_start3A_125 = arith.constant 128 : i32
      %dma_start3A_126 = tpu.memref_slice %arg7[%dma_start3A_125] : memref<256xi32, #tpu.memory_space<vmem>> -> memref<128xi32, #tpu.memory_space<vmem>>
      %dma_start3A_127 = tpu.memref_slice %arg2[%run_scoped3A_12, %mul3A_2] : memref<200x4096xi32, #tpu.memory_space<hbm>> -> memref<1x128xi32, #tpu.memory_space<hbm>>
      %dma_start3A_128 = tpu.memref_squeeze %dma_start3A_127 : memref<1x128xi32, #tpu.memory_space<hbm>> -> memref<128xi32, #tpu.memory_space<hbm>>
      tpu.enqueue_dma source(%dma_start3A_128 : memref<128xi32, #tpu.memory_space<hbm>>) target(%dma_start3A_126 : memref<128xi32, #tpu.memory_space<vmem>>) target_semaphore(%run_scoped3A_120 : memref<!tpu.dma_semaphore, #tpu.memory_space<semaphore_mem>>)
      %dma_wait3A_129 = arith.constant 128 : i32
      %dma_wait3A_130 = tpu.memref_slice %arg7[%dma_wait3A_129] : memref<256xi32, #tpu.memory_space<vmem>> -> memref<128xi32, #tpu.memory_space<vmem>>
      %dma_wait3A_131 = tpu.memref_slice %arg2[%run_scoped3A_12, %mul3A_2] : memref<200x4096xi32, #tpu.memory_space<hbm>> -> memref<1x128xi32, #tpu.memory_space<hbm>>
      %dma_wait3A_132 = tpu.memref_squeeze %dma_wait3A_131 : memref<1x128xi32, #tpu.memory_space<hbm>> -> memref<128xi32, #tpu.memory_space<hbm>>
      %dma_wait3A_133 = arith.constant 128 : i32
      %dma_wait3A_134 = tpu.memref_slice %arg7[%dma_wait3A_133] : memref<256xi32, #tpu.memory_space<vmem>> -> memref<128xi32, #tpu.memory_space<vmem>>
      %dma_wait3A_135 = tpu.memref_slice %arg2[%run_scoped3A_12, %mul3A_2] : memref<200x4096xi32, #tpu.memory_space<hbm>> -> memref<1x128xi32, #tpu.memory_space<hbm>>
      %dma_wait3A_136 = tpu.memref_squeeze %dma_wait3A_135 : memref<1x128xi32, #tpu.memory_space<hbm>> -> memref<128xi32, #tpu.memory_space<hbm>>
      tpu.wait_dma2 semaphore(%run_scoped3A_120 : memref<!tpu.dma_semaphore, #tpu.memory_space<semaphore_mem>>) src(%dma_wait3A_136 : memref<128xi32, #tpu.memory_space<hbm>>) dst(%dma_wait3A_134 : memref<128xi32, #tpu.memory_space<vmem>>)
      tpu.yield
    }) : () -> ()
    %dma_start3A_13 = arith.constant 0 : i32
    %dma_start3A_14 = arith.constant 0 : i32
    %dma_start3A_15 = tpu.memref_slice %arg3[%dma_start3A_13, %dma_start3A_14] : memref<1000000x64xf32, #tpu.memory_space<hbm>> -> memref<1000000x64xf32, #tpu.memory_space<hbm>>
    tpu.enqueue_indirect_dma source(%dma_start3A_15 : memref<1000000x64xf32, #tpu.memory_space<hbm>>) target(%arg11 : memref<256x64xf32, #tpu.memory_space<vmem>>) offsets(%arg7 : memref<256xi32, #tpu.memory_space<vmem>>) semaphore(%arg15 : memref<!tpu.dma_semaphore, #tpu.memory_space<semaphore_mem>>)
    %run_scoped3A_16 = arith.constant 6 : i32
    "tpu.region"() ({
      %run_scoped3A_120 = tpu.sem_alloc : memref<!tpu.dma_semaphore, #tpu.memory_space<semaphore_mem>>
      %dma_start3A_121 = arith.constant 0 : i32
      %dma_start3A_122 = tpu.memref_slice %arg8[%dma_start3A_121] : memref<256xi32, #tpu.memory_space<vmem>> -> memref<128xi32, #tpu.memory_space<vmem>>
      %dma_start3A_123 = tpu.memref_slice %arg2[%run_scoped3A_16, %mul3A_2] : memref<200x4096xi32, #tpu.memory_space<hbm>> -> memref<1x128xi32, #tpu.memory_space<hbm>>
      %dma_start3A_124 = tpu.memref_squeeze %dma_start3A_123 : memref<1x128xi32, #tpu.memory_space<hbm>> -> memref<128xi32, #tpu.memory_space<hbm>>
      %dma_start3A_125 = arith.constant 0 : i32
      %dma_start3A_126 = tpu.memref_slice %arg8[%dma_start3A_125] : memref<256xi32, #tpu.memory_space<vmem>> -> memref<128xi32, #tpu.memory_space<vmem>>
      %dma_start3A_127 = tpu.memref_slice %arg2[%run_scoped3A_16, %mul3A_2] : memref<200x4096xi32, #tpu.memory_space<hbm>> -> memref<1x128xi32, #tpu.memory_space<hbm>>
      %dma_start3A_128 = tpu.memref_squeeze %dma_start3A_127 : memref<1x128xi32, #tpu.memory_space<hbm>> -> memref<128xi32, #tpu.memory_space<hbm>>
      tpu.enqueue_dma source(%dma_start3A_128 : memref<128xi32, #tpu.memory_space<hbm>>) target(%dma_start3A_126 : memref<128xi32, #tpu.memory_space<vmem>>) target_semaphore(%run_scoped3A_120 : memref<!tpu.dma_semaphore, #tpu.memory_space<semaphore_mem>>)
      %dma_wait3A_129 = arith.constant 0 : i32
      %dma_wait3A_130 = tpu.memref_slice %arg8[%dma_wait3A_129] : memref<256xi32, #tpu.memory_space<vmem>> -> memref<128xi32, #tpu.memory_space<vmem>>
      %dma_wait3A_131 = tpu.memref_slice %arg2[%run_scoped3A_16, %mul3A_2] : memref<200x4096xi32, #tpu.memory_space<hbm>> -> memref<1x128xi32, #tpu.memory_space<hbm>>
      %dma_wait3A_132 = tpu.memref_squeeze %dma_wait3A_131 : memref<1x128xi32, #tpu.memory_space<hbm>> -> memref<128xi32, #tpu.memory_space<hbm>>
      %dma_wait3A_133 = arith.constant 0 : i32
      %dma_wait3A_134 = tpu.memref_slice %arg8[%dma_wait3A_133] : memref<256xi32, #tpu.memory_space<vmem>> -> memref<128xi32, #tpu.memory_space<vmem>>
      %dma_wait3A_135 = tpu.memref_slice %arg2[%run_scoped3A_16, %mul3A_2] : memref<200x4096xi32, #tpu.memory_space<hbm>> -> memref<1x128xi32, #tpu.memory_space<hbm>>
      %dma_wait3A_136 = tpu.memref_squeeze %dma_wait3A_135 : memref<1x128xi32, #tpu.memory_space<hbm>> -> memref<128xi32, #tpu.memory_space<hbm>>
      tpu.wait_dma2 semaphore(%run_scoped3A_120 : memref<!tpu.dma_semaphore, #tpu.memory_space<semaphore_mem>>) src(%dma_wait3A_136 : memref<128xi32, #tpu.memory_space<hbm>>) dst(%dma_wait3A_134 : memref<128xi32, #tpu.memory_space<vmem>>)
      tpu.yield
    }) : () -> ()
    %run_scoped3A_17 = arith.constant 7 : i32
    "tpu.region"() ({
      %run_scoped3A_120 = tpu.sem_alloc : memref<!tpu.dma_semaphore, #tpu.memory_space<semaphore_mem>>
      %dma_start3A_121 = arith.constant 128 : i32
      %dma_start3A_122 = tpu.memref_slice %arg8[%dma_start3A_121] : memref<256xi32, #tpu.memory_space<vmem>> -> memref<128xi32, #tpu.memory_space<vmem>>
      %dma_start3A_123 = tpu.memref_slice %arg2[%run_scoped3A_17, %mul3A_2] : memref<200x4096xi32, #tpu.memory_space<hbm>> -> memref<1x128xi32, #tpu.memory_space<hbm>>
      %dma_start3A_124 = tpu.memref_squeeze %dma_start3A_123 : memref<1x128xi32, #tpu.memory_space<hbm>> -> memref<128xi32, #tpu.memory_space<hbm>>
      %dma_start3A_125 = arith.constant 128 : i32
      %dma_start3A_126 = tpu.memref_slice %arg8[%dma_start3A_125] : memref<256xi32, #tpu.memory_space<vmem>> -> memref<128xi32, #tpu.memory_space<vmem>>
      %dma_start3A_127 = tpu.memref_slice %arg2[%run_scoped3A_17, %mul3A_2] : memref<200x4096xi32, #tpu.memory_space<hbm>> -> memref<1x128xi32, #tpu.memory_space<hbm>>
      %dma_start3A_128 = tpu.memref_squeeze %dma_start3A_127 : memref<1x128xi32, #tpu.memory_space<hbm>> -> memref<128xi32, #tpu.memory_space<hbm>>
      tpu.enqueue_dma source(%dma_start3A_128 : memref<128xi32, #tpu.memory_space<hbm>>) target(%dma_start3A_126 : memref<128xi32, #tpu.memory_space<vmem>>) target_semaphore(%run_scoped3A_120 : memref<!tpu.dma_semaphore, #tpu.memory_space<semaphore_mem>>)
      %dma_wait3A_129 = arith.constant 128 : i32
      %dma_wait3A_130 = tpu.memref_slice %arg8[%dma_wait3A_129] : memref<256xi32, #tpu.memory_space<vmem>> -> memref<128xi32, #tpu.memory_space<vmem>>
      %dma_wait3A_131 = tpu.memref_slice %arg2[%run_scoped3A_17, %mul3A_2] : memref<200x4096xi32, #tpu.memory_space<hbm>> -> memref<1x128xi32, #tpu.memory_space<hbm>>
      %dma_wait3A_132 = tpu.memref_squeeze %dma_wait3A_131 : memref<1x128xi32, #tpu.memory_space<hbm>> -> memref<128xi32, #tpu.memory_space<hbm>>
      %dma_wait3A_133 = arith.constant 128 : i32
      %dma_wait3A_134 = tpu.memref_slice %arg8[%dma_wait3A_133] : memref<256xi32, #tpu.memory_space<vmem>> -> memref<128xi32, #tpu.memory_space<vmem>>
      %dma_wait3A_135 = tpu.memref_slice %arg2[%run_scoped3A_17, %mul3A_2] : memref<200x4096xi32, #tpu.memory_space<hbm>> -> memref<1x128xi32, #tpu.memory_space<hbm>>
      %dma_wait3A_136 = tpu.memref_squeeze %dma_wait3A_135 : memref<1x128xi32, #tpu.memory_space<hbm>> -> memref<128xi32, #tpu.memory_space<hbm>>
      tpu.wait_dma2 semaphore(%run_scoped3A_120 : memref<!tpu.dma_semaphore, #tpu.memory_space<semaphore_mem>>) src(%dma_wait3A_136 : memref<128xi32, #tpu.memory_space<hbm>>) dst(%dma_wait3A_134 : memref<128xi32, #tpu.memory_space<vmem>>)
      tpu.yield
    }) : () -> ()
    %dma_start3A_18 = arith.constant 0 : i32
    %dma_start3A_19 = arith.constant 0 : i32
    %dma_start3A_20 = tpu.memref_slice %arg3[%dma_start3A_18, %dma_start3A_19] : memref<1000000x64xf32, #tpu.memory_space<hbm>> -> memref<1000000x64xf32, #tpu.memory_space<hbm>>
    tpu.enqueue_indirect_dma source(%dma_start3A_20 : memref<1000000x64xf32, #tpu.memory_space<hbm>>) target(%arg12 : memref<256x64xf32, #tpu.memory_space<vmem>>) offsets(%arg8 : memref<256xi32, #tpu.memory_space<vmem>>) semaphore(%arg16 : memref<!tpu.dma_semaphore, #tpu.memory_space<semaphore_mem>>)
    %scan3A = arith.constant 0 : i32
    %scan3A_21 = arith.constant 25 : i32
    %scan3A_22 = arith.addi %scan3A, %scan3A_21 : i32
    %scan3A_23 = arith.constant 1 : i32
    scf.for %scan3A_120 = %scan3A to %scan3A_22 step %scan3A_23  : i32 {
      %mul3A_121 = arith.constant 4 : i32
      %mul3A_122 = arith.muli %scan3A_120, %mul3A_121 : i32
      %add3A_123 = arith.constant 0 : i32
      %add3A_124 = arith.addi %mul3A_122, %add3A_123 : i32
      %dma_wait3A_125 = arith.constant 0 : i32
      %dma_wait3A_126 = arith.constant 0 : i32
      %dma_wait3A_127 = tpu.memref_slice %arg3[%dma_wait3A_125, %dma_wait3A_126] : memref<1000000x64xf32, #tpu.memory_space<hbm>> -> memref<1000000x64xf32, #tpu.memory_space<hbm>>
      tpu.wait_indirect_dma semaphore(%arg13 : memref<!tpu.dma_semaphore, #tpu.memory_space<semaphore_mem>>) src(%dma_wait3A_127 : memref<1000000x64xf32, #tpu.memory_space<hbm>>) dst(%arg9 : memref<256x64xf32, #tpu.memory_space<vmem>>)
      %mul3A_128 = arith.constant 2 : i32
      %mul3A_129 = arith.muli %add3A_124, %mul3A_128 : i32
      %add3A_130 = arith.constant 0 : i32
      %add3A_131 = arith.addi %mul3A_129, %add3A_130 : i32
      %mul3A_132 = arith.constant 4096 : i32
      %mul3A_133 = arith.muli %add3A_131, %mul3A_132 : i32
      %add3A_134 = arith.addi %mul3A_133, %mul3A_2 : i32
      %dma_start3A_135 = arith.constant 0 : i32
      %dma_start3A_136 = arith.constant 0 : i32
      %dma_start3A_137 = tpu.memref_slice %arg9[%dma_start3A_135, %dma_start3A_136] : memref<256x64xf32, #tpu.memory_space<vmem>> -> memref<128x64xf32, #tpu.memory_space<vmem>>
      %dma_start3A_138 = arith.constant 0 : i32
      %dma_start3A_139 = tpu.memref_slice %arg4[%add3A_134, %dma_start3A_138] : memref<819200x64xf32, #tpu.memory_space<hbm>> -> memref<128x64xf32, #tpu.memory_space<hbm>>
      %dma_start3A_140 = arith.constant 0 : i32
      %dma_start3A_141 = tpu.memref_slice %arg4[%add3A_134, %dma_start3A_140] : memref<819200x64xf32, #tpu.memory_space<hbm>> -> memref<128x64xf32, #tpu.memory_space<hbm>>
      %dma_start3A_142 = arith.constant 0 : i32
      %dma_start3A_143 = arith.constant 0 : i32
      %dma_start3A_144 = tpu.memref_slice %arg9[%dma_start3A_142, %dma_start3A_143] : memref<256x64xf32, #tpu.memory_space<vmem>> -> memref<128x64xf32, #tpu.memory_space<vmem>>
      tpu.enqueue_dma source(%dma_start3A_144 : memref<128x64xf32, #tpu.memory_space<vmem>>) target(%dma_start3A_141 : memref<128x64xf32, #tpu.memory_space<hbm>>) target_semaphore(%arg17 : memref<!tpu.dma_semaphore, #tpu.memory_space<semaphore_mem>>)
      %mul3A_145 = arith.constant 2 : i32
      %mul3A_146 = arith.muli %add3A_124, %mul3A_145 : i32
      %add3A_147 = arith.constant 1 : i32
      %add3A_148 = arith.addi %mul3A_146, %add3A_147 : i32
      %mul3A_149 = arith.constant 4096 : i32
      %mul3A_150 = arith.muli %add3A_148, %mul3A_149 : i32
      %add3A_151 = arith.addi %mul3A_150, %mul3A_2 : i32
      %dma_start3A_152 = arith.constant 128 : i32
      %dma_start3A_153 = arith.constant 0 : i32
      %dma_start3A_154 = tpu.memref_slice %arg9[%dma_start3A_152, %dma_start3A_153] : memref<256x64xf32, #tpu.memory_space<vmem>> -> memref<128x64xf32, #tpu.memory_space<vmem>>
      %dma_start3A_155 = arith.constant 0 : i32
      %dma_start3A_156 = tpu.memref_slice %arg4[%add3A_151, %dma_start3A_155] : memref<819200x64xf32, #tpu.memory_space<hbm>> -> memref<128x64xf32, #tpu.memory_space<hbm>>
      %dma_start3A_157 = arith.constant 0 : i32
      %dma_start3A_158 = tpu.memref_slice %arg4[%add3A_151, %dma_start3A_157] : memref<819200x64xf32, #tpu.memory_space<hbm>> -> memref<128x64xf32, #tpu.memory_space<hbm>>
      %dma_start3A_159 = arith.constant 128 : i32
      %dma_start3A_160 = arith.constant 0 : i32
      %dma_start3A_161 = tpu.memref_slice %arg9[%dma_start3A_159, %dma_start3A_160] : memref<256x64xf32, #tpu.memory_space<vmem>> -> memref<128x64xf32, #tpu.memory_space<vmem>>
      tpu.enqueue_dma source(%dma_start3A_161 : memref<128x64xf32, #tpu.memory_space<vmem>>) target(%dma_start3A_158 : memref<128x64xf32, #tpu.memory_space<hbm>>) target_semaphore(%arg17 : memref<!tpu.dma_semaphore, #tpu.memory_space<semaphore_mem>>)
      %ge3A = arith.constant 1 : i32
      %ge3A_162 = arith.cmpi sge, %add3A_124, %ge3A : i32
      %add3A_163 = arith.constant 4 : i32
      %add3A_164 = arith.addi %add3A_124, %add3A_163 : i32
      %sub3A = arith.constant 1 : i32
      %sub3A_165 = arith.subi %add3A_164, %sub3A : i32
      %lt3A = arith.constant 100 : i32
      %lt3A_166 = arith.cmpi slt, %sub3A_165, %lt3A : i32
      %and3A = arith.andi %ge3A_162, %lt3A_166 : i1
      %convert_element_type3A = arith.extui %and3A : i1 to i32
      %cond3A = arith.constant 0 : i32
      %cond3A_167 = arith.cmpi ne, %convert_element_type3A, %cond3A : i32
      scf.if %cond3A_167 {
        %sub3A_327 = arith.constant 1 : i32
        %sub3A_328 = arith.subi %add3A_124, %sub3A_327 : i32
        %mul3A_329 = arith.constant 2 : i32
        %mul3A_330 = arith.muli %sub3A_328, %mul3A_329 : i32
        %add3A_331 = arith.constant 0 : i32
        %add3A_332 = arith.addi %mul3A_330, %add3A_331 : i32
        %mul3A_333 = arith.constant 4096 : i32
        %mul3A_334 = arith.muli %add3A_332, %mul3A_333 : i32
        %add3A_335 = arith.addi %mul3A_334, %mul3A_2 : i32
        %dma_wait3A_336 = arith.constant 0 : i32
        %dma_wait3A_337 = arith.constant 0 : i32
        %dma_wait3A_338 = tpu.memref_slice %arg12[%dma_wait3A_336, %dma_wait3A_337] : memref<256x64xf32, #tpu.memory_space<vmem>> -> memref<128x64xf32, #tpu.memory_space<vmem>>
        %dma_wait3A_339 = arith.constant 0 : i32
        %dma_wait3A_340 = tpu.memref_slice %arg4[%add3A_335, %dma_wait3A_339] : memref<819200x64xf32, #tpu.memory_space<hbm>> -> memref<128x64xf32, #tpu.memory_space<hbm>>
        %dma_wait3A_341 = arith.constant 0 : i32
        %dma_wait3A_342 = tpu.memref_slice %arg4[%add3A_335, %dma_wait3A_341] : memref<819200x64xf32, #tpu.memory_space<hbm>> -> memref<128x64xf32, #tpu.memory_space<hbm>>
        %dma_wait3A_343 = arith.constant 0 : i32
        %dma_wait3A_344 = arith.constant 0 : i32
        %dma_wait3A_345 = tpu.memref_slice %arg12[%dma_wait3A_343, %dma_wait3A_344] : memref<256x64xf32, #tpu.memory_space<vmem>> -> memref<128x64xf32, #tpu.memory_space<vmem>>
        tpu.wait_dma2 semaphore(%arg20 : memref<!tpu.dma_semaphore, #tpu.memory_space<semaphore_mem>>) src(%dma_wait3A_345 : memref<128x64xf32, #tpu.memory_space<vmem>>) dst(%dma_wait3A_342 : memref<128x64xf32, #tpu.memory_space<hbm>>)
        %mul3A_346 = arith.constant 2 : i32
        %mul3A_347 = arith.muli %sub3A_328, %mul3A_346 : i32
        %add3A_348 = arith.constant 1 : i32
        %add3A_349 = arith.addi %mul3A_347, %add3A_348 : i32
        %mul3A_350 = arith.constant 4096 : i32
        %mul3A_351 = arith.muli %add3A_349, %mul3A_350 : i32
        %add3A_352 = arith.addi %mul3A_351, %mul3A_2 : i32
        %dma_wait3A_353 = arith.constant 128 : i32
        %dma_wait3A_354 = arith.constant 0 : i32
        %dma_wait3A_355 = tpu.memref_slice %arg12[%dma_wait3A_353, %dma_wait3A_354] : memref<256x64xf32, #tpu.memory_space<vmem>> -> memref<128x64xf32, #tpu.memory_space<vmem>>
        %dma_wait3A_356 = arith.constant 0 : i32
        %dma_wait3A_357 = tpu.memref_slice %arg4[%add3A_352, %dma_wait3A_356] : memref<819200x64xf32, #tpu.memory_space<hbm>> -> memref<128x64xf32, #tpu.memory_space<hbm>>
        %dma_wait3A_358 = arith.constant 0 : i32
        %dma_wait3A_359 = tpu.memref_slice %arg4[%add3A_352, %dma_wait3A_358] : memref<819200x64xf32, #tpu.memory_space<hbm>> -> memref<128x64xf32, #tpu.memory_space<hbm>>
        %dma_wait3A_360 = arith.constant 128 : i32
        %dma_wait3A_361 = arith.constant 0 : i32
        %dma_wait3A_362 = tpu.memref_slice %arg12[%dma_wait3A_360, %dma_wait3A_361] : memref<256x64xf32, #tpu.memory_space<vmem>> -> memref<128x64xf32, #tpu.memory_space<vmem>>
        tpu.wait_dma2 semaphore(%arg20 : memref<!tpu.dma_semaphore, #tpu.memory_space<semaphore_mem>>) src(%dma_wait3A_362 : memref<128x64xf32, #tpu.memory_space<vmem>>) dst(%dma_wait3A_359 : memref<128x64xf32, #tpu.memory_space<hbm>>)
        %sub3A_363 = arith.constant 1 : i32
        %sub3A_364 = arith.subi %add3A_124, %sub3A_363 : i32
        %add3A_365 = arith.constant 4 : i32
        %add3A_366 = arith.addi %sub3A_364, %add3A_365 : i32
        %mul3A_367 = arith.constant 2 : i32
        %mul3A_368 = arith.muli %add3A_366, %mul3A_367 : i32
        %add3A_369 = arith.constant 0 : i32
        %add3A_370 = arith.addi %mul3A_368, %add3A_369 : i32
        "tpu.region"() ({
          %run_scoped3A_376 = tpu.sem_alloc : memref<!tpu.dma_semaphore, #tpu.memory_space<semaphore_mem>>
          %dma_start3A_377 = arith.constant 0 : i32
          %dma_start3A_378 = tpu.memref_slice %arg8[%dma_start3A_377] : memref<256xi32, #tpu.memory_space<vmem>> -> memref<128xi32, #tpu.memory_space<vmem>>
          %dma_start3A_379 = tpu.memref_slice %arg2[%add3A_370, %mul3A_2] : memref<200x4096xi32, #tpu.memory_space<hbm>> -> memref<1x128xi32, #tpu.memory_space<hbm>>
          %dma_start3A_380 = tpu.memref_squeeze %dma_start3A_379 : memref<1x128xi32, #tpu.memory_space<hbm>> -> memref<128xi32, #tpu.memory_space<hbm>>
          %dma_start3A_381 = arith.constant 0 : i32
          %dma_start3A_382 = tpu.memref_slice %arg8[%dma_start3A_381] : memref<256xi32, #tpu.memory_space<vmem>> -> memref<128xi32, #tpu.memory_space<vmem>>
          %dma_start3A_383 = tpu.memref_slice %arg2[%add3A_370, %mul3A_2] : memref<200x4096xi32, #tpu.memory_space<hbm>> -> memref<1x128xi32, #tpu.memory_space<hbm>>
          %dma_start3A_384 = tpu.memref_squeeze %dma_start3A_383 : memref<1x128xi32, #tpu.memory_space<hbm>> -> memref<128xi32, #tpu.memory_space<hbm>>
          tpu.enqueue_dma source(%dma_start3A_384 : memref<128xi32, #tpu.memory_space<hbm>>) target(%dma_start3A_382 : memref<128xi32, #tpu.memory_space<vmem>>) target_semaphore(%run_scoped3A_376 : memref<!tpu.dma_semaphore, #tpu.memory_space<semaphore_mem>>)
          %dma_wait3A_385 = arith.constant 0 : i32
          %dma_wait3A_386 = tpu.memref_slice %arg8[%dma_wait3A_385] : memref<256xi32, #tpu.memory_space<vmem>> -> memref<128xi32, #tpu.memory_space<vmem>>
          %dma_wait3A_387 = tpu.memref_slice %arg2[%add3A_370, %mul3A_2] : memref<200x4096xi32, #tpu.memory_space<hbm>> -> memref<1x128xi32, #tpu.memory_space<hbm>>
          %dma_wait3A_388 = tpu.memref_squeeze %dma_wait3A_387 : memref<1x128xi32, #tpu.memory_space<hbm>> -> memref<128xi32, #tpu.memory_space<hbm>>
          %dma_wait3A_389 = arith.constant 0 : i32
          %dma_wait3A_390 = tpu.memref_slice %arg8[%dma_wait3A_389] : memref<256xi32, #tpu.memory_space<vmem>> -> memref<128xi32, #tpu.memory_space<vmem>>
          %dma_wait3A_391 = tpu.memref_slice %arg2[%add3A_370, %mul3A_2] : memref<200x4096xi32, #tpu.memory_space<hbm>> -> memref<1x128xi32, #tpu.memory_space<hbm>>
          %dma_wait3A_392 = tpu.memref_squeeze %dma_wait3A_391 : memref<1x128xi32, #tpu.memory_space<hbm>> -> memref<128xi32, #tpu.memory_space<hbm>>
          tpu.wait_dma2 semaphore(%run_scoped3A_376 : memref<!tpu.dma_semaphore, #tpu.memory_space<semaphore_mem>>) src(%dma_wait3A_392 : memref<128xi32, #tpu.memory_space<hbm>>) dst(%dma_wait3A_390 : memref<128xi32, #tpu.memory_space<vmem>>)
          tpu.yield
        }) : () -> ()
        %add3A_371 = arith.constant 1 : i32
        %add3A_372 = arith.addi %mul3A_368, %add3A_371 : i32
        "tpu.region"() ({
          %run_scoped3A_376 = tpu.sem_alloc : memref<!tpu.dma_semaphore, #tpu.memory_space<semaphore_mem>>
          %dma_start3A_377 = arith.constant 128 : i32
          %dma_start3A_378 = tpu.memref_slice %arg8[%dma_start3A_377] : memref<256xi32, #tpu.memory_space<vmem>> -> memref<128xi32, #tpu.memory_space<vmem>>
          %dma_start3A_379 = tpu.memref_slice %arg2[%add3A_372, %mul3A_2] : memref<200x4096xi32, #tpu.memory_space<hbm>> -> memref<1x128xi32, #tpu.memory_space<hbm>>
          %dma_start3A_380 = tpu.memref_squeeze %dma_start3A_379 : memref<1x128xi32, #tpu.memory_space<hbm>> -> memref<128xi32, #tpu.memory_space<hbm>>
          %dma_start3A_381 = arith.constant 128 : i32
          %dma_start3A_382 = tpu.memref_slice %arg8[%dma_start3A_381] : memref<256xi32, #tpu.memory_space<vmem>> -> memref<128xi32, #tpu.memory_space<vmem>>
          %dma_start3A_383 = tpu.memref_slice %arg2[%add3A_372, %mul3A_2] : memref<200x4096xi32, #tpu.memory_space<hbm>> -> memref<1x128xi32, #tpu.memory_space<hbm>>
          %dma_start3A_384 = tpu.memref_squeeze %dma_start3A_383 : memref<1x128xi32, #tpu.memory_space<hbm>> -> memref<128xi32, #tpu.memory_space<hbm>>
          tpu.enqueue_dma source(%dma_start3A_384 : memref<128xi32, #tpu.memory_space<hbm>>) target(%dma_start3A_382 : memref<128xi32, #tpu.memory_space<vmem>>) target_semaphore(%run_scoped3A_376 : memref<!tpu.dma_semaphore, #tpu.memory_space<semaphore_mem>>)
          %dma_wait3A_385 = arith.constant 128 : i32
          %dma_wait3A_386 = tpu.memref_slice %arg8[%dma_wait3A_385] : memref<256xi32, #tpu.memory_space<vmem>> -> memref<128xi32, #tpu.memory_space<vmem>>
          %dma_wait3A_387 = tpu.memref_slice %arg2[%add3A_372, %mul3A_2] : memref<200x4096xi32, #tpu.memory_space<hbm>> -> memref<1x128xi32, #tpu.memory_space<hbm>>
          %dma_wait3A_388 = tpu.memref_squeeze %dma_wait3A_387 : memref<1x128xi32, #tpu.memory_space<hbm>> -> memref<128xi32, #tpu.memory_space<hbm>>
          %dma_wait3A_389 = arith.constant 128 : i32
          %dma_wait3A_390 = tpu.memref_slice %arg8[%dma_wait3A_389] : memref<256xi32, #tpu.memory_space<vmem>> -> memref<128xi32, #tpu.memory_space<vmem>>
          %dma_wait3A_391 = tpu.memref_slice %arg2[%add3A_372, %mul3A_2] : memref<200x4096xi32, #tpu.memory_space<hbm>> -> memref<1x128xi32, #tpu.memory_space<hbm>>
          %dma_wait3A_392 = tpu.memref_squeeze %dma_wait3A_391 : memref<1x128xi32, #tpu.memory_space<hbm>> -> memref<128xi32, #tpu.memory_space<hbm>>
          tpu.wait_dma2 semaphore(%run_scoped3A_376 : memref<!tpu.dma_semaphore, #tpu.memory_space<semaphore_mem>>) src(%dma_wait3A_392 : memref<128xi32, #tpu.memory_space<hbm>>) dst(%dma_wait3A_390 : memref<128xi32, #tpu.memory_space<vmem>>)
          tpu.yield
        }) : () -> ()
        %dma_start3A_373 = arith.constant 0 : i32
        %dma_start3A_374 = arith.constant 0 : i32
        %dma_start3A_375 = tpu.memref_slice %arg3[%dma_start3A_373, %dma_start3A_374] : memref<1000000x64xf32, #tpu.memory_space<hbm>> -> memref<1000000x64xf32, #tpu.memory_space<hbm>>
        tpu.enqueue_indirect_dma source(%dma_start3A_375 : memref<1000000x64xf32, #tpu.memory_space<hbm>>) target(%arg12 : memref<256x64xf32, #tpu.memory_space<vmem>>) offsets(%arg8 : memref<256xi32, #tpu.memory_space<vmem>>) semaphore(%arg16 : memref<!tpu.dma_semaphore, #tpu.memory_space<semaphore_mem>>)
      } else {
      }
      %mul3A_168 = arith.constant 4 : i32
      %mul3A_169 = arith.muli %scan3A_120, %mul3A_168 : i32
      %add3A_170 = arith.constant 1 : i32
      %add3A_171 = arith.addi %mul3A_169, %add3A_170 : i32
      %dma_wait3A_172 = arith.constant 0 : i32
      %dma_wait3A_173 = arith.constant 0 : i32
      %dma_wait3A_174 = tpu.memref_slice %arg3[%dma_wait3A_172, %dma_wait3A_173] : memref<1000000x64xf32, #tpu.memory_space<hbm>> -> memref<1000000x64xf32, #tpu.memory_space<hbm>>
      tpu.wait_indirect_dma semaphore(%arg14 : memref<!tpu.dma_semaphore, #tpu.memory_space<semaphore_mem>>) src(%dma_wait3A_174 : memref<1000000x64xf32, #tpu.memory_space<hbm>>) dst(%arg10 : memref<256x64xf32, #tpu.memory_space<vmem>>)
      %mul3A_175 = arith.constant 2 : i32
      %mul3A_176 = arith.muli %add3A_171, %mul3A_175 : i32
      %add3A_177 = arith.constant 0 : i32
      %add3A_178 = arith.addi %mul3A_176, %add3A_177 : i32
      %mul3A_179 = arith.constant 4096 : i32
      %mul3A_180 = arith.muli %add3A_178, %mul3A_179 : i32
      %add3A_181 = arith.addi %mul3A_180, %mul3A_2 : i32
      %dma_start3A_182 = arith.constant 0 : i32
      %dma_start3A_183 = arith.constant 0 : i32
      %dma_start3A_184 = tpu.memref_slice %arg10[%dma_start3A_182, %dma_start3A_183] : memref<256x64xf32, #tpu.memory_space<vmem>> -> memref<128x64xf32, #tpu.memory_space<vmem>>
      %dma_start3A_185 = arith.constant 0 : i32
      %dma_start3A_186 = tpu.memref_slice %arg4[%add3A_181, %dma_start3A_185] : memref<819200x64xf32, #tpu.memory_space<hbm>> -> memref<128x64xf32, #tpu.memory_space<hbm>>
      %dma_start3A_187 = arith.constant 0 : i32
      %dma_start3A_188 = tpu.memref_slice %arg4[%add3A_181, %dma_start3A_187] : memref<819200x64xf32, #tpu.memory_space<hbm>> -> memref<128x64xf32, #tpu.memory_space<hbm>>
      %dma_start3A_189 = arith.constant 0 : i32
      %dma_start3A_190 = arith.constant 0 : i32
      %dma_start3A_191 = tpu.memref_slice %arg10[%dma_start3A_189, %dma_start3A_190] : memref<256x64xf32, #tpu.memory_space<vmem>> -> memref<128x64xf32, #tpu.memory_space<vmem>>
      tpu.enqueue_dma source(%dma_start3A_191 : memref<128x64xf32, #tpu.memory_space<vmem>>) target(%dma_start3A_188 : memref<128x64xf32, #tpu.memory_space<hbm>>) target_semaphore(%arg18 : memref<!tpu.dma_semaphore, #tpu.memory_space<semaphore_mem>>)
      %mul3A_192 = arith.constant 2 : i32
      %mul3A_193 = arith.muli %add3A_171, %mul3A_192 : i32
      %add3A_194 = arith.constant 1 : i32
      %add3A_195 = arith.addi %mul3A_193, %add3A_194 : i32
      %mul3A_196 = arith.constant 4096 : i32
      %mul3A_197 = arith.muli %add3A_195, %mul3A_196 : i32
      %add3A_198 = arith.addi %mul3A_197, %mul3A_2 : i32
      %dma_start3A_199 = arith.constant 128 : i32
      %dma_start3A_200 = arith.constant 0 : i32
      %dma_start3A_201 = tpu.memref_slice %arg10[%dma_start3A_199, %dma_start3A_200] : memref<256x64xf32, #tpu.memory_space<vmem>> -> memref<128x64xf32, #tpu.memory_space<vmem>>
      %dma_start3A_202 = arith.constant 0 : i32
      %dma_start3A_203 = tpu.memref_slice %arg4[%add3A_198, %dma_start3A_202] : memref<819200x64xf32, #tpu.memory_space<hbm>> -> memref<128x64xf32, #tpu.memory_space<hbm>>
      %dma_start3A_204 = arith.constant 0 : i32
      %dma_start3A_205 = tpu.memref_slice %arg4[%add3A_198, %dma_start3A_204] : memref<819200x64xf32, #tpu.memory_space<hbm>> -> memref<128x64xf32, #tpu.memory_space<hbm>>
      %dma_start3A_206 = arith.constant 128 : i32
      %dma_start3A_207 = arith.constant 0 : i32
      %dma_start3A_208 = tpu.memref_slice %arg10[%dma_start3A_206, %dma_start3A_207] : memref<256x64xf32, #tpu.memory_space<vmem>> -> memref<128x64xf32, #tpu.memory_space<vmem>>
      tpu.enqueue_dma source(%dma_start3A_208 : memref<128x64xf32, #tpu.memory_space<vmem>>) target(%dma_start3A_205 : memref<128x64xf32, #tpu.memory_space<hbm>>) target_semaphore(%arg18 : memref<!tpu.dma_semaphore, #tpu.memory_space<semaphore_mem>>)
      %ge3A_209 = arith.constant 1 : i32
      %ge3A_210 = arith.cmpi sge, %add3A_171, %ge3A_209 : i32
      %add3A_211 = arith.constant 4 : i32
      %add3A_212 = arith.addi %add3A_171, %add3A_211 : i32
      %sub3A_213 = arith.constant 1 : i32
      %sub3A_214 = arith.subi %add3A_212, %sub3A_213 : i32
      %lt3A_215 = arith.constant 100 : i32
      %lt3A_216 = arith.cmpi slt, %sub3A_214, %lt3A_215 : i32
      %and3A_217 = arith.andi %ge3A_210, %lt3A_216 : i1
      %convert_element_type3A_218 = arith.extui %and3A_217 : i1 to i32
      %cond3A_219 = arith.constant 0 : i32
      %cond3A_220 = arith.cmpi ne, %convert_element_type3A_218, %cond3A_219 : i32
      scf.if %cond3A_220 {
        %sub3A_327 = arith.constant 1 : i32
        %sub3A_328 = arith.subi %add3A_171, %sub3A_327 : i32
        %mul3A_329 = arith.constant 2 : i32
        %mul3A_330 = arith.muli %sub3A_328, %mul3A_329 : i32
        %add3A_331 = arith.constant 0 : i32
        %add3A_332 = arith.addi %mul3A_330, %add3A_331 : i32
        %mul3A_333 = arith.constant 4096 : i32
        %mul3A_334 = arith.muli %add3A_332, %mul3A_333 : i32
        %add3A_335 = arith.addi %mul3A_334, %mul3A_2 : i32
        %dma_wait3A_336 = arith.constant 0 : i32
        %dma_wait3A_337 = arith.constant 0 : i32
        %dma_wait3A_338 = tpu.memref_slice %arg9[%dma_wait3A_336, %dma_wait3A_337] : memref<256x64xf32, #tpu.memory_space<vmem>> -> memref<128x64xf32, #tpu.memory_space<vmem>>
        %dma_wait3A_339 = arith.constant 0 : i32
        %dma_wait3A_340 = tpu.memref_slice %arg4[%add3A_335, %dma_wait3A_339] : memref<819200x64xf32, #tpu.memory_space<hbm>> -> memref<128x64xf32, #tpu.memory_space<hbm>>
        %dma_wait3A_341 = arith.constant 0 : i32
        %dma_wait3A_342 = tpu.memref_slice %arg4[%add3A_335, %dma_wait3A_341] : memref<819200x64xf32, #tpu.memory_space<hbm>> -> memref<128x64xf32, #tpu.memory_space<hbm>>
        %dma_wait3A_343 = arith.constant 0 : i32
        %dma_wait3A_344 = arith.constant 0 : i32
        %dma_wait3A_345 = tpu.memref_slice %arg9[%dma_wait3A_343, %dma_wait3A_344] : memref<256x64xf32, #tpu.memory_space<vmem>> -> memref<128x64xf32, #tpu.memory_space<vmem>>
        tpu.wait_dma2 semaphore(%arg17 : memref<!tpu.dma_semaphore, #tpu.memory_space<semaphore_mem>>) src(%dma_wait3A_345 : memref<128x64xf32, #tpu.memory_space<vmem>>) dst(%dma_wait3A_342 : memref<128x64xf32, #tpu.memory_space<hbm>>)
        %mul3A_346 = arith.constant 2 : i32
        %mul3A_347 = arith.muli %sub3A_328, %mul3A_346 : i32
        %add3A_348 = arith.constant 1 : i32
        %add3A_349 = arith.addi %mul3A_347, %add3A_348 : i32
        %mul3A_350 = arith.constant 4096 : i32
        %mul3A_351 = arith.muli %add3A_349, %mul3A_350 : i32
        %add3A_352 = arith.addi %mul3A_351, %mul3A_2 : i32
        %dma_wait3A_353 = arith.constant 128 : i32
        %dma_wait3A_354 = arith.constant 0 : i32
        %dma_wait3A_355 = tpu.memref_slice %arg9[%dma_wait3A_353, %dma_wait3A_354] : memref<256x64xf32, #tpu.memory_space<vmem>> -> memref<128x64xf32, #tpu.memory_space<vmem>>
        %dma_wait3A_356 = arith.constant 0 : i32
        %dma_wait3A_357 = tpu.memref_slice %arg4[%add3A_352, %dma_wait3A_356] : memref<819200x64xf32, #tpu.memory_space<hbm>> -> memref<128x64xf32, #tpu.memory_space<hbm>>
        %dma_wait3A_358 = arith.constant 0 : i32
        %dma_wait3A_359 = tpu.memref_slice %arg4[%add3A_352, %dma_wait3A_358] : memref<819200x64xf32, #tpu.memory_space<hbm>> -> memref<128x64xf32, #tpu.memory_space<hbm>>
        %dma_wait3A_360 = arith.constant 128 : i32
        %dma_wait3A_361 = arith.constant 0 : i32
        %dma_wait3A_362 = tpu.memref_slice %arg9[%dma_wait3A_360, %dma_wait3A_361] : memref<256x64xf32, #tpu.memory_space<vmem>> -> memref<128x64xf32, #tpu.memory_space<vmem>>
        tpu.wait_dma2 semaphore(%arg17 : memref<!tpu.dma_semaphore, #tpu.memory_space<semaphore_mem>>) src(%dma_wait3A_362 : memref<128x64xf32, #tpu.memory_space<vmem>>) dst(%dma_wait3A_359 : memref<128x64xf32, #tpu.memory_space<hbm>>)
        %sub3A_363 = arith.constant 1 : i32
        %sub3A_364 = arith.subi %add3A_171, %sub3A_363 : i32
        %add3A_365 = arith.constant 4 : i32
        %add3A_366 = arith.addi %sub3A_364, %add3A_365 : i32
        %mul3A_367 = arith.constant 2 : i32
        %mul3A_368 = arith.muli %add3A_366, %mul3A_367 : i32
        %add3A_369 = arith.constant 0 : i32
        %add3A_370 = arith.addi %mul3A_368, %add3A_369 : i32
        "tpu.region"() ({
          %run_scoped3A_376 = tpu.sem_alloc : memref<!tpu.dma_semaphore, #tpu.memory_space<semaphore_mem>>
          %dma_start3A_377 = arith.constant 0 : i32
          %dma_start3A_378 = tpu.memref_slice %arg5[%dma_start3A_377] : memref<256xi32, #tpu.memory_space<vmem>> -> memref<128xi32, #tpu.memory_space<vmem>>
          %dma_start3A_379 = tpu.memref_slice %arg2[%add3A_370, %mul3A_2] : memref<200x4096xi32, #tpu.memory_space<hbm>> -> memref<1x128xi32, #tpu.memory_space<hbm>>
          %dma_start3A_380 = tpu.memref_squeeze %dma_start3A_379 : memref<1x128xi32, #tpu.memory_space<hbm>> -> memref<128xi32, #tpu.memory_space<hbm>>
          %dma_start3A_381 = arith.constant 0 : i32
          %dma_start3A_382 = tpu.memref_slice %arg5[%dma_start3A_381] : memref<256xi32, #tpu.memory_space<vmem>> -> memref<128xi32, #tpu.memory_space<vmem>>
          %dma_start3A_383 = tpu.memref_slice %arg2[%add3A_370, %mul3A_2] : memref<200x4096xi32, #tpu.memory_space<hbm>> -> memref<1x128xi32, #tpu.memory_space<hbm>>
          %dma_start3A_384 = tpu.memref_squeeze %dma_start3A_383 : memref<1x128xi32, #tpu.memory_space<hbm>> -> memref<128xi32, #tpu.memory_space<hbm>>
          tpu.enqueue_dma source(%dma_start3A_384 : memref<128xi32, #tpu.memory_space<hbm>>) target(%dma_start3A_382 : memref<128xi32, #tpu.memory_space<vmem>>) target_semaphore(%run_scoped3A_376 : memref<!tpu.dma_semaphore, #tpu.memory_space<semaphore_mem>>)
          %dma_wait3A_385 = arith.constant 0 : i32
          %dma_wait3A_386 = tpu.memref_slice %arg5[%dma_wait3A_385] : memref<256xi32, #tpu.memory_space<vmem>> -> memref<128xi32, #tpu.memory_space<vmem>>
          %dma_wait3A_387 = tpu.memref_slice %arg2[%add3A_370, %mul3A_2] : memref<200x4096xi32, #tpu.memory_space<hbm>> -> memref<1x128xi32, #tpu.memory_space<hbm>>
          %dma_wait3A_388 = tpu.memref_squeeze %dma_wait3A_387 : memref<1x128xi32, #tpu.memory_space<hbm>> -> memref<128xi32, #tpu.memory_space<hbm>>
          %dma_wait3A_389 = arith.constant 0 : i32
          %dma_wait3A_390 = tpu.memref_slice %arg5[%dma_wait3A_389] : memref<256xi32, #tpu.memory_space<vmem>> -> memref<128xi32, #tpu.memory_space<vmem>>
          %dma_wait3A_391 = tpu.memref_slice %arg2[%add3A_370, %mul3A_2] : memref<200x4096xi32, #tpu.memory_space<hbm>> -> memref<1x128xi32, #tpu.memory_space<hbm>>
          %dma_wait3A_392 = tpu.memref_squeeze %dma_wait3A_391 : memref<1x128xi32, #tpu.memory_space<hbm>> -> memref<128xi32, #tpu.memory_space<hbm>>
          tpu.wait_dma2 semaphore(%run_scoped3A_376 : memref<!tpu.dma_semaphore, #tpu.memory_space<semaphore_mem>>) src(%dma_wait3A_392 : memref<128xi32, #tpu.memory_space<hbm>>) dst(%dma_wait3A_390 : memref<128xi32, #tpu.memory_space<vmem>>)
          tpu.yield
        }) : () -> ()
        %add3A_371 = arith.constant 1 : i32
        %add3A_372 = arith.addi %mul3A_368, %add3A_371 : i32
        "tpu.region"() ({
          %run_scoped3A_376 = tpu.sem_alloc : memref<!tpu.dma_semaphore, #tpu.memory_space<semaphore_mem>>
          %dma_start3A_377 = arith.constant 128 : i32
          %dma_start3A_378 = tpu.memref_slice %arg5[%dma_start3A_377] : memref<256xi32, #tpu.memory_space<vmem>> -> memref<128xi32, #tpu.memory_space<vmem>>
          %dma_start3A_379 = tpu.memref_slice %arg2[%add3A_372, %mul3A_2] : memref<200x4096xi32, #tpu.memory_space<hbm>> -> memref<1x128xi32, #tpu.memory_space<hbm>>
          %dma_start3A_380 = tpu.memref_squeeze %dma_start3A_379 : memref<1x128xi32, #tpu.memory_space<hbm>> -> memref<128xi32, #tpu.memory_space<hbm>>
          %dma_start3A_381 = arith.constant 128 : i32
          %dma_start3A_382 = tpu.memref_slice %arg5[%dma_start3A_381] : memref<256xi32, #tpu.memory_space<vmem>> -> memref<128xi32, #tpu.memory_space<vmem>>
          %dma_start3A_383 = tpu.memref_slice %arg2[%add3A_372, %mul3A_2] : memref<200x4096xi32, #tpu.memory_space<hbm>> -> memref<1x128xi32, #tpu.memory_space<hbm>>
          %dma_start3A_384 = tpu.memref_squeeze %dma_start3A_383 : memref<1x128xi32, #tpu.memory_space<hbm>> -> memref<128xi32, #tpu.memory_space<hbm>>
          tpu.enqueue_dma source(%dma_start3A_384 : memref<128xi32, #tpu.memory_space<hbm>>) target(%dma_start3A_382 : memref<128xi32, #tpu.memory_space<vmem>>) target_semaphore(%run_scoped3A_376 : memref<!tpu.dma_semaphore, #tpu.memory_space<semaphore_mem>>)
          %dma_wait3A_385 = arith.constant 128 : i32
          %dma_wait3A_386 = tpu.memref_slice %arg5[%dma_wait3A_385] : memref<256xi32, #tpu.memory_space<vmem>> -> memref<128xi32, #tpu.memory_space<vmem>>
          %dma_wait3A_387 = tpu.memref_slice %arg2[%add3A_372, %mul3A_2] : memref<200x4096xi32, #tpu.memory_space<hbm>> -> memref<1x128xi32, #tpu.memory_space<hbm>>
          %dma_wait3A_388 = tpu.memref_squeeze %dma_wait3A_387 : memref<1x128xi32, #tpu.memory_space<hbm>> -> memref<128xi32, #tpu.memory_space<hbm>>
          %dma_wait3A_389 = arith.constant 128 : i32
          %dma_wait3A_390 = tpu.memref_slice %arg5[%dma_wait3A_389] : memref<256xi32, #tpu.memory_space<vmem>> -> memref<128xi32, #tpu.memory_space<vmem>>
          %dma_wait3A_391 = tpu.memref_slice %arg2[%add3A_372, %mul3A_2] : memref<200x4096xi32, #tpu.memory_space<hbm>> -> memref<1x128xi32, #tpu.memory_space<hbm>>
          %dma_wait3A_392 = tpu.memref_squeeze %dma_wait3A_391 : memref<1x128xi32, #tpu.memory_space<hbm>> -> memref<128xi32, #tpu.memory_space<hbm>>
          tpu.wait_dma2 semaphore(%run_scoped3A_376 : memref<!tpu.dma_semaphore, #tpu.memory_space<semaphore_mem>>) src(%dma_wait3A_392 : memref<128xi32, #tpu.memory_space<hbm>>) dst(%dma_wait3A_390 : memref<128xi32, #tpu.memory_space<vmem>>)
          tpu.yield
        }) : () -> ()
        %dma_start3A_373 = arith.constant 0 : i32
        %dma_start3A_374 = arith.constant 0 : i32
        %dma_start3A_375 = tpu.memref_slice %arg3[%dma_start3A_373, %dma_start3A_374] : memref<1000000x64xf32, #tpu.memory_space<hbm>> -> memref<1000000x64xf32, #tpu.memory_space<hbm>>
        tpu.enqueue_indirect_dma source(%dma_start3A_375 : memref<1000000x64xf32, #tpu.memory_space<hbm>>) target(%arg9 : memref<256x64xf32, #tpu.memory_space<vmem>>) offsets(%arg5 : memref<256xi32, #tpu.memory_space<vmem>>) semaphore(%arg13 : memref<!tpu.dma_semaphore, #tpu.memory_space<semaphore_mem>>)
      } else {
      }
      %mul3A_221 = arith.constant 4 : i32
      %mul3A_222 = arith.muli %scan3A_120, %mul3A_221 : i32
      %add3A_223 = arith.constant 2 : i32
      %add3A_224 = arith.addi %mul3A_222, %add3A_223 : i32
      %dma_wait3A_225 = arith.constant 0 : i32
      %dma_wait3A_226 = arith.constant 0 : i32
      %dma_wait3A_227 = tpu.memref_slice %arg3[%dma_wait3A_225, %dma_wait3A_226] : memref<1000000x64xf32, #tpu.memory_space<hbm>> -> memref<1000000x64xf32, #tpu.memory_space<hbm>>
      tpu.wait_indirect_dma semaphore(%arg15 : memref<!tpu.dma_semaphore, #tpu.memory_space<semaphore_mem>>) src(%dma_wait3A_227 : memref<1000000x64xf32, #tpu.memory_space<hbm>>) dst(%arg11 : memref<256x64xf32, #tpu.memory_space<vmem>>)
      %mul3A_228 = arith.constant 2 : i32
      %mul3A_229 = arith.muli %add3A_224, %mul3A_228 : i32
      %add3A_230 = arith.constant 0 : i32
      %add3A_231 = arith.addi %mul3A_229, %add3A_230 : i32
      %mul3A_232 = arith.constant 4096 : i32
      %mul3A_233 = arith.muli %add3A_231, %mul3A_232 : i32
      %add3A_234 = arith.addi %mul3A_233, %mul3A_2 : i32
      %dma_start3A_235 = arith.constant 0 : i32
      %dma_start3A_236 = arith.constant 0 : i32
      %dma_start3A_237 = tpu.memref_slice %arg11[%dma_start3A_235, %dma_start3A_236] : memref<256x64xf32, #tpu.memory_space<vmem>> -> memref<128x64xf32, #tpu.memory_space<vmem>>
      %dma_start3A_238 = arith.constant 0 : i32
      %dma_start3A_239 = tpu.memref_slice %arg4[%add3A_234, %dma_start3A_238] : memref<819200x64xf32, #tpu.memory_space<hbm>> -> memref<128x64xf32, #tpu.memory_space<hbm>>
      %dma_start3A_240 = arith.constant 0 : i32
      %dma_start3A_241 = tpu.memref_slice %arg4[%add3A_234, %dma_start3A_240] : memref<819200x64xf32, #tpu.memory_space<hbm>> -> memref<128x64xf32, #tpu.memory_space<hbm>>
      %dma_start3A_242 = arith.constant 0 : i32
      %dma_start3A_243 = arith.constant 0 : i32
      %dma_start3A_244 = tpu.memref_slice %arg11[%dma_start3A_242, %dma_start3A_243] : memref<256x64xf32, #tpu.memory_space<vmem>> -> memref<128x64xf32, #tpu.memory_space<vmem>>
      tpu.enqueue_dma source(%dma_start3A_244 : memref<128x64xf32, #tpu.memory_space<vmem>>) target(%dma_start3A_241 : memref<128x64xf32, #tpu.memory_space<hbm>>) target_semaphore(%arg19 : memref<!tpu.dma_semaphore, #tpu.memory_space<semaphore_mem>>)
      %mul3A_245 = arith.constant 2 : i32
      %mul3A_246 = arith.muli %add3A_224, %mul3A_245 : i32
      %add3A_247 = arith.constant 1 : i32
      %add3A_248 = arith.addi %mul3A_246, %add3A_247 : i32
      %mul3A_249 = arith.constant 4096 : i32
      %mul3A_250 = arith.muli %add3A_248, %mul3A_249 : i32
      %add3A_251 = arith.addi %mul3A_250, %mul3A_2 : i32
      %dma_start3A_252 = arith.constant 128 : i32
      %dma_start3A_253 = arith.constant 0 : i32
      %dma_start3A_254 = tpu.memref_slice %arg11[%dma_start3A_252, %dma_start3A_253] : memref<256x64xf32, #tpu.memory_space<vmem>> -> memref<128x64xf32, #tpu.memory_space<vmem>>
      %dma_start3A_255 = arith.constant 0 : i32
      %dma_start3A_256 = tpu.memref_slice %arg4[%add3A_251, %dma_start3A_255] : memref<819200x64xf32, #tpu.memory_space<hbm>> -> memref<128x64xf32, #tpu.memory_space<hbm>>
      %dma_start3A_257 = arith.constant 0 : i32
      %dma_start3A_258 = tpu.memref_slice %arg4[%add3A_251, %dma_start3A_257] : memref<819200x64xf32, #tpu.memory_space<hbm>> -> memref<128x64xf32, #tpu.memory_space<hbm>>
      %dma_start3A_259 = arith.constant 128 : i32
      %dma_start3A_260 = arith.constant 0 : i32
      %dma_start3A_261 = tpu.memref_slice %arg11[%dma_start3A_259, %dma_start3A_260] : memref<256x64xf32, #tpu.memory_space<vmem>> -> memref<128x64xf32, #tpu.memory_space<vmem>>
      tpu.enqueue_dma source(%dma_start3A_261 : memref<128x64xf32, #tpu.memory_space<vmem>>) target(%dma_start3A_258 : memref<128x64xf32, #tpu.memory_space<hbm>>) target_semaphore(%arg19 : memref<!tpu.dma_semaphore, #tpu.memory_space<semaphore_mem>>)
      %ge3A_262 = arith.constant 1 : i32
      %ge3A_263 = arith.cmpi sge, %add3A_224, %ge3A_262 : i32
      %add3A_264 = arith.constant 4 : i32
      %add3A_265 = arith.addi %add3A_224, %add3A_264 : i32
      %sub3A_266 = arith.constant 1 : i32
      %sub3A_267 = arith.subi %add3A_265, %sub3A_266 : i32
      %lt3A_268 = arith.constant 100 : i32
      %lt3A_269 = arith.cmpi slt, %sub3A_267, %lt3A_268 : i32
      %and3A_270 = arith.andi %ge3A_263, %lt3A_269 : i1
      %convert_element_type3A_271 = arith.extui %and3A_270 : i1 to i32
      %cond3A_272 = arith.constant 0 : i32
      %cond3A_273 = arith.cmpi ne, %convert_element_type3A_271, %cond3A_272 : i32
      scf.if %cond3A_273 {
        %sub3A_327 = arith.constant 1 : i32
        %sub3A_328 = arith.subi %add3A_224, %sub3A_327 : i32
        %mul3A_329 = arith.constant 2 : i32
        %mul3A_330 = arith.muli %sub3A_328, %mul3A_329 : i32
        %add3A_331 = arith.constant 0 : i32
        %add3A_332 = arith.addi %mul3A_330, %add3A_331 : i32
        %mul3A_333 = arith.constant 4096 : i32
        %mul3A_334 = arith.muli %add3A_332, %mul3A_333 : i32
        %add3A_335 = arith.addi %mul3A_334, %mul3A_2 : i32
        %dma_wait3A_336 = arith.constant 0 : i32
        %dma_wait3A_337 = arith.constant 0 : i32
        %dma_wait3A_338 = tpu.memref_slice %arg10[%dma_wait3A_336, %dma_wait3A_337] : memref<256x64xf32, #tpu.memory_space<vmem>> -> memref<128x64xf32, #tpu.memory_space<vmem>>
        %dma_wait3A_339 = arith.constant 0 : i32
        %dma_wait3A_340 = tpu.memref_slice %arg4[%add3A_335, %dma_wait3A_339] : memref<819200x64xf32, #tpu.memory_space<hbm>> -> memref<128x64xf32, #tpu.memory_space<hbm>>
        %dma_wait3A_341 = arith.constant 0 : i32
        %dma_wait3A_342 = tpu.memref_slice %arg4[%add3A_335, %dma_wait3A_341] : memref<819200x64xf32, #tpu.memory_space<hbm>> -> memref<128x64xf32, #tpu.memory_space<hbm>>
        %dma_wait3A_343 = arith.constant 0 : i32
        %dma_wait3A_344 = arith.constant 0 : i32
        %dma_wait3A_345 = tpu.memref_slice %arg10[%dma_wait3A_343, %dma_wait3A_344] : memref<256x64xf32, #tpu.memory_space<vmem>> -> memref<128x64xf32, #tpu.memory_space<vmem>>
        tpu.wait_dma2 semaphore(%arg18 : memref<!tpu.dma_semaphore, #tpu.memory_space<semaphore_mem>>) src(%dma_wait3A_345 : memref<128x64xf32, #tpu.memory_space<vmem>>) dst(%dma_wait3A_342 : memref<128x64xf32, #tpu.memory_space<hbm>>)
        %mul3A_346 = arith.constant 2 : i32
        %mul3A_347 = arith.muli %sub3A_328, %mul3A_346 : i32
        %add3A_348 = arith.constant 1 : i32
        %add3A_349 = arith.addi %mul3A_347, %add3A_348 : i32
        %mul3A_350 = arith.constant 4096 : i32
        %mul3A_351 = arith.muli %add3A_349, %mul3A_350 : i32
        %add3A_352 = arith.addi %mul3A_351, %mul3A_2 : i32
        %dma_wait3A_353 = arith.constant 128 : i32
        %dma_wait3A_354 = arith.constant 0 : i32
        %dma_wait3A_355 = tpu.memref_slice %arg10[%dma_wait3A_353, %dma_wait3A_354] : memref<256x64xf32, #tpu.memory_space<vmem>> -> memref<128x64xf32, #tpu.memory_space<vmem>>
        %dma_wait3A_356 = arith.constant 0 : i32
        %dma_wait3A_357 = tpu.memref_slice %arg4[%add3A_352, %dma_wait3A_356] : memref<819200x64xf32, #tpu.memory_space<hbm>> -> memref<128x64xf32, #tpu.memory_space<hbm>>
        %dma_wait3A_358 = arith.constant 0 : i32
        %dma_wait3A_359 = tpu.memref_slice %arg4[%add3A_352, %dma_wait3A_358] : memref<819200x64xf32, #tpu.memory_space<hbm>> -> memref<128x64xf32, #tpu.memory_space<hbm>>
        %dma_wait3A_360 = arith.constant 128 : i32
        %dma_wait3A_361 = arith.constant 0 : i32
        %dma_wait3A_362 = tpu.memref_slice %arg10[%dma_wait3A_360, %dma_wait3A_361] : memref<256x64xf32, #tpu.memory_space<vmem>> -> memref<128x64xf32, #tpu.memory_space<vmem>>
        tpu.wait_dma2 semaphore(%arg18 : memref<!tpu.dma_semaphore, #tpu.memory_space<semaphore_mem>>) src(%dma_wait3A_362 : memref<128x64xf32, #tpu.memory_space<vmem>>) dst(%dma_wait3A_359 : memref<128x64xf32, #tpu.memory_space<hbm>>)
        %sub3A_363 = arith.constant 1 : i32
        %sub3A_364 = arith.subi %add3A_224, %sub3A_363 : i32
        %add3A_365 = arith.constant 4 : i32
        %add3A_366 = arith.addi %sub3A_364, %add3A_365 : i32
        %mul3A_367 = arith.constant 2 : i32
        %mul3A_368 = arith.muli %add3A_366, %mul3A_367 : i32
        %add3A_369 = arith.constant 0 : i32
        %add3A_370 = arith.addi %mul3A_368, %add3A_369 : i32
        "tpu.region"() ({
          %run_scoped3A_376 = tpu.sem_alloc : memref<!tpu.dma_semaphore, #tpu.memory_space<semaphore_mem>>
          %dma_start3A_377 = arith.constant 0 : i32
          %dma_start3A_378 = tpu.memref_slice %arg6[%dma_start3A_377] : memref<256xi32, #tpu.memory_space<vmem>> -> memref<128xi32, #tpu.memory_space<vmem>>
          %dma_start3A_379 = tpu.memref_slice %arg2[%add3A_370, %mul3A_2] : memref<200x4096xi32, #tpu.memory_space<hbm>> -> memref<1x128xi32, #tpu.memory_space<hbm>>
          %dma_start3A_380 = tpu.memref_squeeze %dma_start3A_379 : memref<1x128xi32, #tpu.memory_space<hbm>> -> memref<128xi32, #tpu.memory_space<hbm>>
          %dma_start3A_381 = arith.constant 0 : i32
          %dma_start3A_382 = tpu.memref_slice %arg6[%dma_start3A_381] : memref<256xi32, #tpu.memory_space<vmem>> -> memref<128xi32, #tpu.memory_space<vmem>>
          %dma_start3A_383 = tpu.memref_slice %arg2[%add3A_370, %mul3A_2] : memref<200x4096xi32, #tpu.memory_space<hbm>> -> memref<1x128xi32, #tpu.memory_space<hbm>>
          %dma_start3A_384 = tpu.memref_squeeze %dma_start3A_383 : memref<1x128xi32, #tpu.memory_space<hbm>> -> memref<128xi32, #tpu.memory_space<hbm>>
          tpu.enqueue_dma source(%dma_start3A_384 : memref<128xi32, #tpu.memory_space<hbm>>) target(%dma_start3A_382 : memref<128xi32, #tpu.memory_space<vmem>>) target_semaphore(%run_scoped3A_376 : memref<!tpu.dma_semaphore, #tpu.memory_space<semaphore_mem>>)
          %dma_wait3A_385 = arith.constant 0 : i32
          %dma_wait3A_386 = tpu.memref_slice %arg6[%dma_wait3A_385] : memref<256xi32, #tpu.memory_space<vmem>> -> memref<128xi32, #tpu.memory_space<vmem>>
          %dma_wait3A_387 = tpu.memref_slice %arg2[%add3A_370, %mul3A_2] : memref<200x4096xi32, #tpu.memory_space<hbm>> -> memref<1x128xi32, #tpu.memory_space<hbm>>
          %dma_wait3A_388 = tpu.memref_squeeze %dma_wait3A_387 : memref<1x128xi32, #tpu.memory_space<hbm>> -> memref<128xi32, #tpu.memory_space<hbm>>
          %dma_wait3A_389 = arith.constant 0 : i32
          %dma_wait3A_390 = tpu.memref_slice %arg6[%dma_wait3A_389] : memref<256xi32, #tpu.memory_space<vmem>> -> memref<128xi32, #tpu.memory_space<vmem>>
          %dma_wait3A_391 = tpu.memref_slice %arg2[%add3A_370, %mul3A_2] : memref<200x4096xi32, #tpu.memory_space<hbm>> -> memref<1x128xi32, #tpu.memory_space<hbm>>
          %dma_wait3A_392 = tpu.memref_squeeze %dma_wait3A_391 : memref<1x128xi32, #tpu.memory_space<hbm>> -> memref<128xi32, #tpu.memory_space<hbm>>
          tpu.wait_dma2 semaphore(%run_scoped3A_376 : memref<!tpu.dma_semaphore, #tpu.memory_space<semaphore_mem>>) src(%dma_wait3A_392 : memref<128xi32, #tpu.memory_space<hbm>>) dst(%dma_wait3A_390 : memref<128xi32, #tpu.memory_space<vmem>>)
          tpu.yield
        }) : () -> ()
        %add3A_371 = arith.constant 1 : i32
        %add3A_372 = arith.addi %mul3A_368, %add3A_371 : i32
        "tpu.region"() ({
          %run_scoped3A_376 = tpu.sem_alloc : memref<!tpu.dma_semaphore, #tpu.memory_space<semaphore_mem>>
          %dma_start3A_377 = arith.constant 128 : i32
          %dma_start3A_378 = tpu.memref_slice %arg6[%dma_start3A_377] : memref<256xi32, #tpu.memory_space<vmem>> -> memref<128xi32, #tpu.memory_space<vmem>>
          %dma_start3A_379 = tpu.memref_slice %arg2[%add3A_372, %mul3A_2] : memref<200x4096xi32, #tpu.memory_space<hbm>> -> memref<1x128xi32, #tpu.memory_space<hbm>>
          %dma_start3A_380 = tpu.memref_squeeze %dma_start3A_379 : memref<1x128xi32, #tpu.memory_space<hbm>> -> memref<128xi32, #tpu.memory_space<hbm>>
          %dma_start3A_381 = arith.constant 128 : i32
          %dma_start3A_382 = tpu.memref_slice %arg6[%dma_start3A_381] : memref<256xi32, #tpu.memory_space<vmem>> -> memref<128xi32, #tpu.memory_space<vmem>>
          %dma_start3A_383 = tpu.memref_slice %arg2[%add3A_372, %mul3A_2] : memref<200x4096xi32, #tpu.memory_space<hbm>> -> memref<1x128xi32, #tpu.memory_space<hbm>>
          %dma_start3A_384 = tpu.memref_squeeze %dma_start3A_383 : memref<1x128xi32, #tpu.memory_space<hbm>> -> memref<128xi32, #tpu.memory_space<hbm>>
          tpu.enqueue_dma source(%dma_start3A_384 : memref<128xi32, #tpu.memory_space<hbm>>) target(%dma_start3A_382 : memref<128xi32, #tpu.memory_space<vmem>>) target_semaphore(%run_scoped3A_376 : memref<!tpu.dma_semaphore, #tpu.memory_space<semaphore_mem>>)
          %dma_wait3A_385 = arith.constant 128 : i32
          %dma_wait3A_386 = tpu.memref_slice %arg6[%dma_wait3A_385] : memref<256xi32, #tpu.memory_space<vmem>> -> memref<128xi32, #tpu.memory_space<vmem>>
          %dma_wait3A_387 = tpu.memref_slice %arg2[%add3A_372, %mul3A_2] : memref<200x4096xi32, #tpu.memory_space<hbm>> -> memref<1x128xi32, #tpu.memory_space<hbm>>
          %dma_wait3A_388 = tpu.memref_squeeze %dma_wait3A_387 : memref<1x128xi32, #tpu.memory_space<hbm>> -> memref<128xi32, #tpu.memory_space<hbm>>
          %dma_wait3A_389 = arith.constant 128 : i32
          %dma_wait3A_390 = tpu.memref_slice %arg6[%dma_wait3A_389] : memref<256xi32, #tpu.memory_space<vmem>> -> memref<128xi32, #tpu.memory_space<vmem>>
          %dma_wait3A_391 = tpu.memref_slice %arg2[%add3A_372, %mul3A_2] : memref<200x4096xi32, #tpu.memory_space<hbm>> -> memref<1x128xi32, #tpu.memory_space<hbm>>
          %dma_wait3A_392 = tpu.memref_squeeze %dma_wait3A_391 : memref<1x128xi32, #tpu.memory_space<hbm>> -> memref<128xi32, #tpu.memory_space<hbm>>
          tpu.wait_dma2 semaphore(%run_scoped3A_376 : memref<!tpu.dma_semaphore, #tpu.memory_space<semaphore_mem>>) src(%dma_wait3A_392 : memref<128xi32, #tpu.memory_space<hbm>>) dst(%dma_wait3A_390 : memref<128xi32, #tpu.memory_space<vmem>>)
          tpu.yield
        }) : () -> ()
        %dma_start3A_373 = arith.constant 0 : i32
        %dma_start3A_374 = arith.constant 0 : i32
        %dma_start3A_375 = tpu.memref_slice %arg3[%dma_start3A_373, %dma_start3A_374] : memref<1000000x64xf32, #tpu.memory_space<hbm>> -> memref<1000000x64xf32, #tpu.memory_space<hbm>>
        tpu.enqueue_indirect_dma source(%dma_start3A_375 : memref<1000000x64xf32, #tpu.memory_space<hbm>>) target(%arg10 : memref<256x64xf32, #tpu.memory_space<vmem>>) offsets(%arg6 : memref<256xi32, #tpu.memory_space<vmem>>) semaphore(%arg14 : memref<!tpu.dma_semaphore, #tpu.memory_space<semaphore_mem>>)
      } else {
      }
      %mul3A_274 = arith.constant 4 : i32
      %mul3A_275 = arith.muli %scan3A_120, %mul3A_274 : i32
      %add3A_276 = arith.constant 3 : i32
      %add3A_277 = arith.addi %mul3A_275, %add3A_276 : i32
      %dma_wait3A_278 = arith.constant 0 : i32
      %dma_wait3A_279 = arith.constant 0 : i32
      %dma_wait3A_280 = tpu.memref_slice %arg3[%dma_wait3A_278, %dma_wait3A_279] : memref<1000000x64xf32, #tpu.memory_space<hbm>> -> memref<1000000x64xf32, #tpu.memory_space<hbm>>
      tpu.wait_indirect_dma semaphore(%arg16 : memref<!tpu.dma_semaphore, #tpu.memory_space<semaphore_mem>>) src(%dma_wait3A_280 : memref<1000000x64xf32, #tpu.memory_space<hbm>>) dst(%arg12 : memref<256x64xf32, #tpu.memory_space<vmem>>)
      %mul3A_281 = arith.constant 2 : i32
      %mul3A_282 = arith.muli %add3A_277, %mul3A_281 : i32
      %add3A_283 = arith.constant 0 : i32
      %add3A_284 = arith.addi %mul3A_282, %add3A_283 : i32
      %mul3A_285 = arith.constant 4096 : i32
      %mul3A_286 = arith.muli %add3A_284, %mul3A_285 : i32
      %add3A_287 = arith.addi %mul3A_286, %mul3A_2 : i32
      %dma_start3A_288 = arith.constant 0 : i32
      %dma_start3A_289 = arith.constant 0 : i32
      %dma_start3A_290 = tpu.memref_slice %arg12[%dma_start3A_288, %dma_start3A_289] : memref<256x64xf32, #tpu.memory_space<vmem>> -> memref<128x64xf32, #tpu.memory_space<vmem>>
      %dma_start3A_291 = arith.constant 0 : i32
      %dma_start3A_292 = tpu.memref_slice %arg4[%add3A_287, %dma_start3A_291] : memref<819200x64xf32, #tpu.memory_space<hbm>> -> memref<128x64xf32, #tpu.memory_space<hbm>>
      %dma_start3A_293 = arith.constant 0 : i32
      %dma_start3A_294 = tpu.memref_slice %arg4[%add3A_287, %dma_start3A_293] : memref<819200x64xf32, #tpu.memory_space<hbm>> -> memref<128x64xf32, #tpu.memory_space<hbm>>
      %dma_start3A_295 = arith.constant 0 : i32
      %dma_start3A_296 = arith.constant 0 : i32
      %dma_start3A_297 = tpu.memref_slice %arg12[%dma_start3A_295, %dma_start3A_296] : memref<256x64xf32, #tpu.memory_space<vmem>> -> memref<128x64xf32, #tpu.memory_space<vmem>>
      tpu.enqueue_dma source(%dma_start3A_297 : memref<128x64xf32, #tpu.memory_space<vmem>>) target(%dma_start3A_294 : memref<128x64xf32, #tpu.memory_space<hbm>>) target_semaphore(%arg20 : memref<!tpu.dma_semaphore, #tpu.memory_space<semaphore_mem>>)
      %mul3A_298 = arith.constant 2 : i32
      %mul3A_299 = arith.muli %add3A_277, %mul3A_298 : i32
      %add3A_300 = arith.constant 1 : i32
      %add3A_301 = arith.addi %mul3A_299, %add3A_300 : i32
      %mul3A_302 = arith.constant 4096 : i32
      %mul3A_303 = arith.muli %add3A_301, %mul3A_302 : i32
      %add3A_304 = arith.addi %mul3A_303, %mul3A_2 : i32
      %dma_start3A_305 = arith.constant 128 : i32
      %dma_start3A_306 = arith.constant 0 : i32
      %dma_start3A_307 = tpu.memref_slice %arg12[%dma_start3A_305, %dma_start3A_306] : memref<256x64xf32, #tpu.memory_space<vmem>> -> memref<128x64xf32, #tpu.memory_space<vmem>>
      %dma_start3A_308 = arith.constant 0 : i32
      %dma_start3A_309 = tpu.memref_slice %arg4[%add3A_304, %dma_start3A_308] : memref<819200x64xf32, #tpu.memory_space<hbm>> -> memref<128x64xf32, #tpu.memory_space<hbm>>
      %dma_start3A_310 = arith.constant 0 : i32
      %dma_start3A_311 = tpu.memref_slice %arg4[%add3A_304, %dma_start3A_310] : memref<819200x64xf32, #tpu.memory_space<hbm>> -> memref<128x64xf32, #tpu.memory_space<hbm>>
      %dma_start3A_312 = arith.constant 128 : i32
      %dma_start3A_313 = arith.constant 0 : i32
      %dma_start3A_314 = tpu.memref_slice %arg12[%dma_start3A_312, %dma_start3A_313] : memref<256x64xf32, #tpu.memory_space<vmem>> -> memref<128x64xf32, #tpu.memory_space<vmem>>
      tpu.enqueue_dma source(%dma_start3A_314 : memref<128x64xf32, #tpu.memory_space<vmem>>) target(%dma_start3A_311 : memref<128x64xf32, #tpu.memory_space<hbm>>) target_semaphore(%arg20 : memref<!tpu.dma_semaphore, #tpu.memory_space<semaphore_mem>>)
      %ge3A_315 = arith.constant 1 : i32
      %ge3A_316 = arith.cmpi sge, %add3A_277, %ge3A_315 : i32
      %add3A_317 = arith.constant 4 : i32
      %add3A_318 = arith.addi %add3A_277, %add3A_317 : i32
      %sub3A_319 = arith.constant 1 : i32
      %sub3A_320 = arith.subi %add3A_318, %sub3A_319 : i32
      %lt3A_321 = arith.constant 100 : i32
      %lt3A_322 = arith.cmpi slt, %sub3A_320, %lt3A_321 : i32
      %and3A_323 = arith.andi %ge3A_316, %lt3A_322 : i1
      %convert_element_type3A_324 = arith.extui %and3A_323 : i1 to i32
      %cond3A_325 = arith.constant 0 : i32
      %cond3A_326 = arith.cmpi ne, %convert_element_type3A_324, %cond3A_325 : i32
      scf.if %cond3A_326 {
        %sub3A_327 = arith.constant 1 : i32
        %sub3A_328 = arith.subi %add3A_277, %sub3A_327 : i32
        %mul3A_329 = arith.constant 2 : i32
        %mul3A_330 = arith.muli %sub3A_328, %mul3A_329 : i32
        %add3A_331 = arith.constant 0 : i32
        %add3A_332 = arith.addi %mul3A_330, %add3A_331 : i32
        %mul3A_333 = arith.constant 4096 : i32
        %mul3A_334 = arith.muli %add3A_332, %mul3A_333 : i32
        %add3A_335 = arith.addi %mul3A_334, %mul3A_2 : i32
        %dma_wait3A_336 = arith.constant 0 : i32
        %dma_wait3A_337 = arith.constant 0 : i32
        %dma_wait3A_338 = tpu.memref_slice %arg11[%dma_wait3A_336, %dma_wait3A_337] : memref<256x64xf32, #tpu.memory_space<vmem>> -> memref<128x64xf32, #tpu.memory_space<vmem>>
        %dma_wait3A_339 = arith.constant 0 : i32
        %dma_wait3A_340 = tpu.memref_slice %arg4[%add3A_335, %dma_wait3A_339] : memref<819200x64xf32, #tpu.memory_space<hbm>> -> memref<128x64xf32, #tpu.memory_space<hbm>>
        %dma_wait3A_341 = arith.constant 0 : i32
        %dma_wait3A_342 = tpu.memref_slice %arg4[%add3A_335, %dma_wait3A_341] : memref<819200x64xf32, #tpu.memory_space<hbm>> -> memref<128x64xf32, #tpu.memory_space<hbm>>
        %dma_wait3A_343 = arith.constant 0 : i32
        %dma_wait3A_344 = arith.constant 0 : i32
        %dma_wait3A_345 = tpu.memref_slice %arg11[%dma_wait3A_343, %dma_wait3A_344] : memref<256x64xf32, #tpu.memory_space<vmem>> -> memref<128x64xf32, #tpu.memory_space<vmem>>
        tpu.wait_dma2 semaphore(%arg19 : memref<!tpu.dma_semaphore, #tpu.memory_space<semaphore_mem>>) src(%dma_wait3A_345 : memref<128x64xf32, #tpu.memory_space<vmem>>) dst(%dma_wait3A_342 : memref<128x64xf32, #tpu.memory_space<hbm>>)
        %mul3A_346 = arith.constant 2 : i32
        %mul3A_347 = arith.muli %sub3A_328, %mul3A_346 : i32
        %add3A_348 = arith.constant 1 : i32
        %add3A_349 = arith.addi %mul3A_347, %add3A_348 : i32
        %mul3A_350 = arith.constant 4096 : i32
        %mul3A_351 = arith.muli %add3A_349, %mul3A_350 : i32
        %add3A_352 = arith.addi %mul3A_351, %mul3A_2 : i32
        %dma_wait3A_353 = arith.constant 128 : i32
        %dma_wait3A_354 = arith.constant 0 : i32
        %dma_wait3A_355 = tpu.memref_slice %arg11[%dma_wait3A_353, %dma_wait3A_354] : memref<256x64xf32, #tpu.memory_space<vmem>> -> memref<128x64xf32, #tpu.memory_space<vmem>>
        %dma_wait3A_356 = arith.constant 0 : i32
        %dma_wait3A_357 = tpu.memref_slice %arg4[%add3A_352, %dma_wait3A_356] : memref<819200x64xf32, #tpu.memory_space<hbm>> -> memref<128x64xf32, #tpu.memory_space<hbm>>
        %dma_wait3A_358 = arith.constant 0 : i32
        %dma_wait3A_359 = tpu.memref_slice %arg4[%add3A_352, %dma_wait3A_358] : memref<819200x64xf32, #tpu.memory_space<hbm>> -> memref<128x64xf32, #tpu.memory_space<hbm>>
        %dma_wait3A_360 = arith.constant 128 : i32
        %dma_wait3A_361 = arith.constant 0 : i32
        %dma_wait3A_362 = tpu.memref_slice %arg11[%dma_wait3A_360, %dma_wait3A_361] : memref<256x64xf32, #tpu.memory_space<vmem>> -> memref<128x64xf32, #tpu.memory_space<vmem>>
        tpu.wait_dma2 semaphore(%arg19 : memref<!tpu.dma_semaphore, #tpu.memory_space<semaphore_mem>>) src(%dma_wait3A_362 : memref<128x64xf32, #tpu.memory_space<vmem>>) dst(%dma_wait3A_359 : memref<128x64xf32, #tpu.memory_space<hbm>>)
        %sub3A_363 = arith.constant 1 : i32
        %sub3A_364 = arith.subi %add3A_277, %sub3A_363 : i32
        %add3A_365 = arith.constant 4 : i32
        %add3A_366 = arith.addi %sub3A_364, %add3A_365 : i32
        %mul3A_367 = arith.constant 2 : i32
        %mul3A_368 = arith.muli %add3A_366, %mul3A_367 : i32
        %add3A_369 = arith.constant 0 : i32
        %add3A_370 = arith.addi %mul3A_368, %add3A_369 : i32
        "tpu.region"() ({
          %run_scoped3A_376 = tpu.sem_alloc : memref<!tpu.dma_semaphore, #tpu.memory_space<semaphore_mem>>
          %dma_start3A_377 = arith.constant 0 : i32
          %dma_start3A_378 = tpu.memref_slice %arg7[%dma_start3A_377] : memref<256xi32, #tpu.memory_space<vmem>> -> memref<128xi32, #tpu.memory_space<vmem>>
          %dma_start3A_379 = tpu.memref_slice %arg2[%add3A_370, %mul3A_2] : memref<200x4096xi32, #tpu.memory_space<hbm>> -> memref<1x128xi32, #tpu.memory_space<hbm>>
          %dma_start3A_380 = tpu.memref_squeeze %dma_start3A_379 : memref<1x128xi32, #tpu.memory_space<hbm>> -> memref<128xi32, #tpu.memory_space<hbm>>
          %dma_start3A_381 = arith.constant 0 : i32
          %dma_start3A_382 = tpu.memref_slice %arg7[%dma_start3A_381] : memref<256xi32, #tpu.memory_space<vmem>> -> memref<128xi32, #tpu.memory_space<vmem>>
          %dma_start3A_383 = tpu.memref_slice %arg2[%add3A_370, %mul3A_2] : memref<200x4096xi32, #tpu.memory_space<hbm>> -> memref<1x128xi32, #tpu.memory_space<hbm>>
          %dma_start3A_384 = tpu.memref_squeeze %dma_start3A_383 : memref<1x128xi32, #tpu.memory_space<hbm>> -> memref<128xi32, #tpu.memory_space<hbm>>
          tpu.enqueue_dma source(%dma_start3A_384 : memref<128xi32, #tpu.memory_space<hbm>>) target(%dma_start3A_382 : memref<128xi32, #tpu.memory_space<vmem>>) target_semaphore(%run_scoped3A_376 : memref<!tpu.dma_semaphore, #tpu.memory_space<semaphore_mem>>)
          %dma_wait3A_385 = arith.constant 0 : i32
          %dma_wait3A_386 = tpu.memref_slice %arg7[%dma_wait3A_385] : memref<256xi32, #tpu.memory_space<vmem>> -> memref<128xi32, #tpu.memory_space<vmem>>
          %dma_wait3A_387 = tpu.memref_slice %arg2[%add3A_370, %mul3A_2] : memref<200x4096xi32, #tpu.memory_space<hbm>> -> memref<1x128xi32, #tpu.memory_space<hbm>>
          %dma_wait3A_388 = tpu.memref_squeeze %dma_wait3A_387 : memref<1x128xi32, #tpu.memory_space<hbm>> -> memref<128xi32, #tpu.memory_space<hbm>>
          %dma_wait3A_389 = arith.constant 0 : i32
          %dma_wait3A_390 = tpu.memref_slice %arg7[%dma_wait3A_389] : memref<256xi32, #tpu.memory_space<vmem>> -> memref<128xi32, #tpu.memory_space<vmem>>
          %dma_wait3A_391 = tpu.memref_slice %arg2[%add3A_370, %mul3A_2] : memref<200x4096xi32, #tpu.memory_space<hbm>> -> memref<1x128xi32, #tpu.memory_space<hbm>>
          %dma_wait3A_392 = tpu.memref_squeeze %dma_wait3A_391 : memref<1x128xi32, #tpu.memory_space<hbm>> -> memref<128xi32, #tpu.memory_space<hbm>>
          tpu.wait_dma2 semaphore(%run_scoped3A_376 : memref<!tpu.dma_semaphore, #tpu.memory_space<semaphore_mem>>) src(%dma_wait3A_392 : memref<128xi32, #tpu.memory_space<hbm>>) dst(%dma_wait3A_390 : memref<128xi32, #tpu.memory_space<vmem>>)
          tpu.yield
        }) : () -> ()
        %add3A_371 = arith.constant 1 : i32
        %add3A_372 = arith.addi %mul3A_368, %add3A_371 : i32
        "tpu.region"() ({
          %run_scoped3A_376 = tpu.sem_alloc : memref<!tpu.dma_semaphore, #tpu.memory_space<semaphore_mem>>
          %dma_start3A_377 = arith.constant 128 : i32
          %dma_start3A_378 = tpu.memref_slice %arg7[%dma_start3A_377] : memref<256xi32, #tpu.memory_space<vmem>> -> memref<128xi32, #tpu.memory_space<vmem>>
          %dma_start3A_379 = tpu.memref_slice %arg2[%add3A_372, %mul3A_2] : memref<200x4096xi32, #tpu.memory_space<hbm>> -> memref<1x128xi32, #tpu.memory_space<hbm>>
          %dma_start3A_380 = tpu.memref_squeeze %dma_start3A_379 : memref<1x128xi32, #tpu.memory_space<hbm>> -> memref<128xi32, #tpu.memory_space<hbm>>
          %dma_start3A_381 = arith.constant 128 : i32
          %dma_start3A_382 = tpu.memref_slice %arg7[%dma_start3A_381] : memref<256xi32, #tpu.memory_space<vmem>> -> memref<128xi32, #tpu.memory_space<vmem>>
          %dma_start3A_383 = tpu.memref_slice %arg2[%add3A_372, %mul3A_2] : memref<200x4096xi32, #tpu.memory_space<hbm>> -> memref<1x128xi32, #tpu.memory_space<hbm>>
          %dma_start3A_384 = tpu.memref_squeeze %dma_start3A_383 : memref<1x128xi32, #tpu.memory_space<hbm>> -> memref<128xi32, #tpu.memory_space<hbm>>
          tpu.enqueue_dma source(%dma_start3A_384 : memref<128xi32, #tpu.memory_space<hbm>>) target(%dma_start3A_382 : memref<128xi32, #tpu.memory_space<vmem>>) target_semaphore(%run_scoped3A_376 : memref<!tpu.dma_semaphore, #tpu.memory_space<semaphore_mem>>)
          %dma_wait3A_385 = arith.constant 128 : i32
          %dma_wait3A_386 = tpu.memref_slice %arg7[%dma_wait3A_385] : memref<256xi32, #tpu.memory_space<vmem>> -> memref<128xi32, #tpu.memory_space<vmem>>
          %dma_wait3A_387 = tpu.memref_slice %arg2[%add3A_372, %mul3A_2] : memref<200x4096xi32, #tpu.memory_space<hbm>> -> memref<1x128xi32, #tpu.memory_space<hbm>>
          %dma_wait3A_388 = tpu.memref_squeeze %dma_wait3A_387 : memref<1x128xi32, #tpu.memory_space<hbm>> -> memref<128xi32, #tpu.memory_space<hbm>>
          %dma_wait3A_389 = arith.constant 128 : i32
          %dma_wait3A_390 = tpu.memref_slice %arg7[%dma_wait3A_389] : memref<256xi32, #tpu.memory_space<vmem>> -> memref<128xi32, #tpu.memory_space<vmem>>
          %dma_wait3A_391 = tpu.memref_slice %arg2[%add3A_372, %mul3A_2] : memref<200x4096xi32, #tpu.memory_space<hbm>> -> memref<1x128xi32, #tpu.memory_space<hbm>>
          %dma_wait3A_392 = tpu.memref_squeeze %dma_wait3A_391 : memref<1x128xi32, #tpu.memory_space<hbm>> -> memref<128xi32, #tpu.memory_space<hbm>>
          tpu.wait_dma2 semaphore(%run_scoped3A_376 : memref<!tpu.dma_semaphore, #tpu.memory_space<semaphore_mem>>) src(%dma_wait3A_392 : memref<128xi32, #tpu.memory_space<hbm>>) dst(%dma_wait3A_390 : memref<128xi32, #tpu.memory_space<vmem>>)
          tpu.yield
        }) : () -> ()
        %dma_start3A_373 = arith.constant 0 : i32
        %dma_start3A_374 = arith.constant 0 : i32
        %dma_start3A_375 = tpu.memref_slice %arg3[%dma_start3A_373, %dma_start3A_374] : memref<1000000x64xf32, #tpu.memory_space<hbm>> -> memref<1000000x64xf32, #tpu.memory_space<hbm>>
        tpu.enqueue_indirect_dma source(%dma_start3A_375 : memref<1000000x64xf32, #tpu.memory_space<hbm>>) target(%arg11 : memref<256x64xf32, #tpu.memory_space<vmem>>) offsets(%arg7 : memref<256xi32, #tpu.memory_space<vmem>>) semaphore(%arg15 : memref<!tpu.dma_semaphore, #tpu.memory_space<semaphore_mem>>)
      } else {
      }
    }
    %scan3A_24 = arith.constant 25 : i32
    %add3A_25 = arith.constant 786432 : i32
    %add3A_26 = arith.addi %add3A_25, %mul3A_2 : i32
    %dma_wait3A = arith.constant 0 : i32
    %dma_wait3A_27 = arith.constant 0 : i32
    %dma_wait3A_28 = tpu.memref_slice %arg9[%dma_wait3A, %dma_wait3A_27] : memref<256x64xf32, #tpu.memory_space<vmem>> -> memref<128x64xf32, #tpu.memory_space<vmem>>
    %dma_wait3A_29 = arith.constant 0 : i32
    %dma_wait3A_30 = tpu.memref_slice %arg4[%add3A_26, %dma_wait3A_29] : memref<819200x64xf32, #tpu.memory_space<hbm>> -> memref<128x64xf32, #tpu.memory_space<hbm>>
    %dma_wait3A_31 = arith.constant 0 : i32
    %dma_wait3A_32 = tpu.memref_slice %arg4[%add3A_26, %dma_wait3A_31] : memref<819200x64xf32, #tpu.memory_space<hbm>> -> memref<128x64xf32, #tpu.memory_space<hbm>>
    %dma_wait3A_33 = arith.constant 0 : i32
    %dma_wait3A_34 = arith.constant 0 : i32
    %dma_wait3A_35 = tpu.memref_slice %arg9[%dma_wait3A_33, %dma_wait3A_34] : memref<256x64xf32, #tpu.memory_space<vmem>> -> memref<128x64xf32, #tpu.memory_space<vmem>>
    tpu.wait_dma2 semaphore(%arg17 : memref<!tpu.dma_semaphore, #tpu.memory_space<semaphore_mem>>) src(%dma_wait3A_35 : memref<128x64xf32, #tpu.memory_space<vmem>>) dst(%dma_wait3A_32 : memref<128x64xf32, #tpu.memory_space<hbm>>)
    %add3A_36 = arith.constant 790528 : i32
    %add3A_37 = arith.addi %add3A_36, %mul3A_2 : i32
    %dma_wait3A_38 = arith.constant 128 : i32
    %dma_wait3A_39 = arith.constant 0 : i32
    %dma_wait3A_40 = tpu.memref_slice %arg9[%dma_wait3A_38, %dma_wait3A_39] : memref<256x64xf32, #tpu.memory_space<vmem>> -> memref<128x64xf32, #tpu.memory_space<vmem>>
    %dma_wait3A_41 = arith.constant 0 : i32
    %dma_wait3A_42 = tpu.memref_slice %arg4[%add3A_37, %dma_wait3A_41] : memref<819200x64xf32, #tpu.memory_space<hbm>> -> memref<128x64xf32, #tpu.memory_space<hbm>>
    %dma_wait3A_43 = arith.constant 0 : i32
    %dma_wait3A_44 = tpu.memref_slice %arg4[%add3A_37, %dma_wait3A_43] : memref<819200x64xf32, #tpu.memory_space<hbm>> -> memref<128x64xf32, #tpu.memory_space<hbm>>
    %dma_wait3A_45 = arith.constant 128 : i32
    %dma_wait3A_46 = arith.constant 0 : i32
    %dma_wait3A_47 = tpu.memref_slice %arg9[%dma_wait3A_45, %dma_wait3A_46] : memref<256x64xf32, #tpu.memory_space<vmem>> -> memref<128x64xf32, #tpu.memory_space<vmem>>
    tpu.wait_dma2 semaphore(%arg17 : memref<!tpu.dma_semaphore, #tpu.memory_space<semaphore_mem>>) src(%dma_wait3A_47 : memref<128x64xf32, #tpu.memory_space<vmem>>) dst(%dma_wait3A_44 : memref<128x64xf32, #tpu.memory_space<hbm>>)
    %add3A_48 = arith.constant 794624 : i32
    %add3A_49 = arith.addi %add3A_48, %mul3A_2 : i32
    %dma_wait3A_50 = arith.constant 0 : i32
    %dma_wait3A_51 = arith.constant 0 : i32
    %dma_wait3A_52 = tpu.memref_slice %arg10[%dma_wait3A_50, %dma_wait3A_51] : memref<256x64xf32, #tpu.memory_space<vmem>> -> memref<128x64xf32, #tpu.memory_space<vmem>>
    %dma_wait3A_53 = arith.constant 0 : i32
    %dma_wait3A_54 = tpu.memref_slice %arg4[%add3A_49, %dma_wait3A_53] : memref<819200x64xf32, #tpu.memory_space<hbm>> -> memref<128x64xf32, #tpu.memory_space<hbm>>
    %dma_wait3A_55 = arith.constant 0 : i32
    %dma_wait3A_56 = tpu.memref_slice %arg4[%add3A_49, %dma_wait3A_55] : memref<819200x64xf32, #tpu.memory_space<hbm>> -> memref<128x64xf32, #tpu.memory_space<hbm>>
    %dma_wait3A_57 = arith.constant 0 : i32
    %dma_wait3A_58 = arith.constant 0 : i32
    %dma_wait3A_59 = tpu.memref_slice %arg10[%dma_wait3A_57, %dma_wait3A_58] : memref<256x64xf32, #tpu.memory_space<vmem>> -> memref<128x64xf32, #tpu.memory_space<vmem>>
    tpu.wait_dma2 semaphore(%arg18 : memref<!tpu.dma_semaphore, #tpu.memory_space<semaphore_mem>>) src(%dma_wait3A_59 : memref<128x64xf32, #tpu.memory_space<vmem>>) dst(%dma_wait3A_56 : memref<128x64xf32, #tpu.memory_space<hbm>>)
    %add3A_60 = arith.constant 798720 : i32
    %add3A_61 = arith.addi %add3A_60, %mul3A_2 : i32
    %dma_wait3A_62 = arith.constant 128 : i32
    %dma_wait3A_63 = arith.constant 0 : i32
    %dma_wait3A_64 = tpu.memref_slice %arg10[%dma_wait3A_62, %dma_wait3A_63] : memref<256x64xf32, #tpu.memory_space<vmem>> -> memref<128x64xf32, #tpu.memory_space<vmem>>
    %dma_wait3A_65 = arith.constant 0 : i32
    %dma_wait3A_66 = tpu.memref_slice %arg4[%add3A_61, %dma_wait3A_65] : memref<819200x64xf32, #tpu.memory_space<hbm>> -> memref<128x64xf32, #tpu.memory_space<hbm>>
    %dma_wait3A_67 = arith.constant 0 : i32
    %dma_wait3A_68 = tpu.memref_slice %arg4[%add3A_61, %dma_wait3A_67] : memref<819200x64xf32, #tpu.memory_space<hbm>> -> memref<128x64xf32, #tpu.memory_space<hbm>>
    %dma_wait3A_69 = arith.constant 128 : i32
    %dma_wait3A_70 = arith.constant 0 : i32
    %dma_wait3A_71 = tpu.memref_slice %arg10[%dma_wait3A_69, %dma_wait3A_70] : memref<256x64xf32, #tpu.memory_space<vmem>> -> memref<128x64xf32, #tpu.memory_space<vmem>>
    tpu.wait_dma2 semaphore(%arg18 : memref<!tpu.dma_semaphore, #tpu.memory_space<semaphore_mem>>) src(%dma_wait3A_71 : memref<128x64xf32, #tpu.memory_space<vmem>>) dst(%dma_wait3A_68 : memref<128x64xf32, #tpu.memory_space<hbm>>)
    %add3A_72 = arith.constant 802816 : i32
    %add3A_73 = arith.addi %add3A_72, %mul3A_2 : i32
    %dma_wait3A_74 = arith.constant 0 : i32
    %dma_wait3A_75 = arith.constant 0 : i32
    %dma_wait3A_76 = tpu.memref_slice %arg11[%dma_wait3A_74, %dma_wait3A_75] : memref<256x64xf32, #tpu.memory_space<vmem>> -> memref<128x64xf32, #tpu.memory_space<vmem>>
    %dma_wait3A_77 = arith.constant 0 : i32
    %dma_wait3A_78 = tpu.memref_slice %arg4[%add3A_73, %dma_wait3A_77] : memref<819200x64xf32, #tpu.memory_space<hbm>> -> memref<128x64xf32, #tpu.memory_space<hbm>>
    %dma_wait3A_79 = arith.constant 0 : i32
    %dma_wait3A_80 = tpu.memref_slice %arg4[%add3A_73, %dma_wait3A_79] : memref<819200x64xf32, #tpu.memory_space<hbm>> -> memref<128x64xf32, #tpu.memory_space<hbm>>
    %dma_wait3A_81 = arith.constant 0 : i32
    %dma_wait3A_82 = arith.constant 0 : i32
    %dma_wait3A_83 = tpu.memref_slice %arg11[%dma_wait3A_81, %dma_wait3A_82] : memref<256x64xf32, #tpu.memory_space<vmem>> -> memref<128x64xf32, #tpu.memory_space<vmem>>
    tpu.wait_dma2 semaphore(%arg19 : memref<!tpu.dma_semaphore, #tpu.memory_space<semaphore_mem>>) src(%dma_wait3A_83 : memref<128x64xf32, #tpu.memory_space<vmem>>) dst(%dma_wait3A_80 : memref<128x64xf32, #tpu.memory_space<hbm>>)
    %add3A_84 = arith.constant 806912 : i32
    %add3A_85 = arith.addi %add3A_84, %mul3A_2 : i32
    %dma_wait3A_86 = arith.constant 128 : i32
    %dma_wait3A_87 = arith.constant 0 : i32
    %dma_wait3A_88 = tpu.memref_slice %arg11[%dma_wait3A_86, %dma_wait3A_87] : memref<256x64xf32, #tpu.memory_space<vmem>> -> memref<128x64xf32, #tpu.memory_space<vmem>>
    %dma_wait3A_89 = arith.constant 0 : i32
    %dma_wait3A_90 = tpu.memref_slice %arg4[%add3A_85, %dma_wait3A_89] : memref<819200x64xf32, #tpu.memory_space<hbm>> -> memref<128x64xf32, #tpu.memory_space<hbm>>
    %dma_wait3A_91 = arith.constant 0 : i32
    %dma_wait3A_92 = tpu.memref_slice %arg4[%add3A_85, %dma_wait3A_91] : memref<819200x64xf32, #tpu.memory_space<hbm>> -> memref<128x64xf32, #tpu.memory_space<hbm>>
    %dma_wait3A_93 = arith.constant 128 : i32
    %dma_wait3A_94 = arith.constant 0 : i32
    %dma_wait3A_95 = tpu.memref_slice %arg11[%dma_wait3A_93, %dma_wait3A_94] : memref<256x64xf32, #tpu.memory_space<vmem>> -> memref<128x64xf32, #tpu.memory_space<vmem>>
    tpu.wait_dma2 semaphore(%arg19 : memref<!tpu.dma_semaphore, #tpu.memory_space<semaphore_mem>>) src(%dma_wait3A_95 : memref<128x64xf32, #tpu.memory_space<vmem>>) dst(%dma_wait3A_92 : memref<128x64xf32, #tpu.memory_space<hbm>>)
    %add3A_96 = arith.constant 811008 : i32
    %add3A_97 = arith.addi %add3A_96, %mul3A_2 : i32
    %dma_wait3A_98 = arith.constant 0 : i32
    %dma_wait3A_99 = arith.constant 0 : i32
    %dma_wait3A_100 = tpu.memref_slice %arg12[%dma_wait3A_98, %dma_wait3A_99] : memref<256x64xf32, #tpu.memory_space<vmem>> -> memref<128x64xf32, #tpu.memory_space<vmem>>
    %dma_wait3A_101 = arith.constant 0 : i32
    %dma_wait3A_102 = tpu.memref_slice %arg4[%add3A_97, %dma_wait3A_101] : memref<819200x64xf32, #tpu.memory_space<hbm>> -> memref<128x64xf32, #tpu.memory_space<hbm>>
    %dma_wait3A_103 = arith.constant 0 : i32
    %dma_wait3A_104 = tpu.memref_slice %arg4[%add3A_97, %dma_wait3A_103] : memref<819200x64xf32, #tpu.memory_space<hbm>> -> memref<128x64xf32, #tpu.memory_space<hbm>>
    %dma_wait3A_105 = arith.constant 0 : i32
    %dma_wait3A_106 = arith.constant 0 : i32
    %dma_wait3A_107 = tpu.memref_slice %arg12[%dma_wait3A_105, %dma_wait3A_106] : memref<256x64xf32, #tpu.memory_space<vmem>> -> memref<128x64xf32, #tpu.memory_space<vmem>>
    tpu.wait_dma2 semaphore(%arg20 : memref<!tpu.dma_semaphore, #tpu.memory_space<semaphore_mem>>) src(%dma_wait3A_107 : memref<128x64xf32, #tpu.memory_space<vmem>>) dst(%dma_wait3A_104 : memref<128x64xf32, #tpu.memory_space<hbm>>)
    %add3A_108 = arith.constant 815104 : i32
    %add3A_109 = arith.addi %add3A_108, %mul3A_2 : i32
    %dma_wait3A_110 = arith.constant 128 : i32
    %dma_wait3A_111 = arith.constant 0 : i32
    %dma_wait3A_112 = tpu.memref_slice %arg12[%dma_wait3A_110, %dma_wait3A_111] : memref<256x64xf32, #tpu.memory_space<vmem>> -> memref<128x64xf32, #tpu.memory_space<vmem>>
    %dma_wait3A_113 = arith.constant 0 : i32
    %dma_wait3A_114 = tpu.memref_slice %arg4[%add3A_109, %dma_wait3A_113] : memref<819200x64xf32, #tpu.memory_space<hbm>> -> memref<128x64xf32, #tpu.memory_space<hbm>>
    %dma_wait3A_115 = arith.constant 0 : i32
    %dma_wait3A_116 = tpu.memref_slice %arg4[%add3A_109, %dma_wait3A_115] : memref<819200x64xf32, #tpu.memory_space<hbm>> -> memref<128x64xf32, #tpu.memory_space<hbm>>
    %dma_wait3A_117 = arith.constant 128 : i32
    %dma_wait3A_118 = arith.constant 0 : i32
    %dma_wait3A_119 = tpu.memref_slice %arg12[%dma_wait3A_117, %dma_wait3A_118] : memref<256x64xf32, #tpu.memory_space<vmem>> -> memref<128x64xf32, #tpu.memory_space<vmem>>
    tpu.wait_dma2 semaphore(%arg20 : memref<!tpu.dma_semaphore, #tpu.memory_space<semaphore_mem>>) src(%dma_wait3A_119 : memref<128x64xf32, #tpu.memory_space<vmem>>) dst(%dma_wait3A_116 : memref<128x64xf32, #tpu.memory_space<hbm>>)
    return
  }
}

</mosaic_0001>

<sc_bundles>
// kernel: kernel.3.cloned.1.call-start
scs
__scs_entry_jumppad:
0x0: {  	(pc) =	sbr.rel $0x88, $3  }
0x1: {  	(tag) =	ssettag $0x0;
	lr =	simm.s32 $0x1  }
0x2: {  	[smem:$0x3F9F] =	sst lr;
	_ =	strace $0xD0000000  }
0x3: {  	_ = 	snop  }
0x4: {  	_ = 	snop  }
0x5: {  	_ = 	snop  }
0x6: {  	_ = 	snop  }
0x7: {  	_ = 	snop  }
__scs_overlays_trampoline_lowered:
0x8: {  	[smem:$0x3FAE] =	sst s0  }
0x9: {  	[smem:$0x3FAF] =	sst s1  }
0xa: {  	[smem:$0x3FB0] =	sst s2  }
0xb: {  	[smem:$0x3FB1] =	sst s3  }
0xc: {  	[smem:$0x3FB2] =	sst s4  }
0xd: {  	[smem:$0x3FB3] =	sst s5  }
0xe: {  	[smem:$0x3FB4] =	sst s6  }
0xf: {  	[smem:$0x3FB5] =	sst s7  }
0x10: {  	[smem:$0x3FB6] =	sst s8  }
0x11: {  	[smem:$0x3FB7] =	sst s9;
	s0 =	simm.s32 @!p0 $0x0  }
0x12: {  	s1 =	sld [smem:$0x3F9D];
	s0 =	simm.s32 @p0 $0x1  }
0x13: {  	[smem:$0x3FB8] =	sst s0;
	s0 =	simm.s32 @!p1 $0x0  }
0x14: {  	s2 =	sld [smem:$0x3F9C];
	s0 =	simm.s32 @p1 $0x1  }
0x15: {  	[smem:$0x3FB9] =	sst s0;
	s0 =	simm.s32 @!p2 $0x0  }
0x16: {  	s3 =	sld [smem:$0x3FDB];
	s0 =	simm.s32 @p2 $0x1  }
0x17: {  	s4 =	simm.s32 $0x1BF5;
	[smem:$0x3FBB] =	sst s0  }
0x18: {  	s0 =	sld [smem:$0x3F9E];
	_ =	swait.ge [sflag:s4], $0x0  }
0x19: {  	s7 =	sld [smem:$0x3F9F]  }
0x1a: {  	s8 =	sadd.s32 $0xFFFFE003, lr  }
0x1b: {  	s9 =	sadd.s32 $0xFFFFFEF7, lr;
	s5 =	simm.s32 $0xFFFFFFFF;
	p2 =	slt.u32 s8, $0xFFFFF086  }
0x1c: {  	p1 =	slt.u32 s9, $0xF7A;
	s5 =	simm.s32 @!p2 $0x0  }
0x1d: {  	s5 =	simm.s32 @p1 $0x1;
	p0 =	seq.s32 s7, s2  }
0x1e: {  	s7 =	smul.u32 @!p0 $0xF7A, s2;
	p2 =	seq.s32 @!p0 s5, $0x0  }
0x1f: {  	s9 =	smul.u32 $0xF7A, s1;
	s8 =	simm.s32 @!p0 $0x1BF5;
	p2 =	por !p2, p0  }
0x20: {  	[sflag:s8] =	ssyncset.s32 @!p0 $0xFFFFF086;
	s6 =	sadd.s32 @!p0 s3, s7;
	s7 =	simm.s32 @!p0 $0x108  }
0x21: {  	s3 =	sadd.s32 s3, s9;
	s6 =	sadd.s32 @!p0 $0x88, s6;
	s7 =	simm.s32 @p2 $0x1082  }
0x22: {  	[simem:s7], [sflag:s8] =	dma.local @!p0 [hbm:s6], $0xF7A  }
0x23: {  	s9 =	sor.u32 $0xD0000000, s2;
	s6 =	simm.s32 $0x108;
	_ =	swait.ge @!p0 [sflag:s8], $0x0  }
0x24: {  	s3 =	sadd.s32 $0x88, s3;
	s6 =	simm.s32 @!p1 $0x1082;
	[sflag:s4] =	ssyncset.s32 $0xFFFFF086  }
0x25: {  	[simem:s6], [sflag:s4] =	dma.local [hbm:s3], $0xF7A  }
0x26: {  	[smem:$0x3F9F] =	sst s1;
	(tag) =	ssettag s2;
	_ =	strace s9  }
0x27: {  	s1 =	sld [smem:$0x3FAF]  }
0x28: {  	s2 =	sld [smem:$0x3FB0]  }
0x29: {  	s4 =	sld [smem:$0x3FB2]  }
0x2a: {  	p0 =	seq.s32 s5, $0x0;
	s5 =	sld [smem:$0x3FB3]  }
0x2b: {  	s6 =	sld [smem:$0x3FB4]  }
0x2c: {  	s7 =	sld [smem:$0x3FB5]  }
0x2d: {  	s3 =	simm.s32 $0x108;
	s8 =	sld [smem:$0x3FB6]  }
0x2e: {  	s3 =	simm.s32 @!p0 $0x1082;
	s9 =	sld [smem:$0x3FB7]  }
0x2f: {  	lr =	sadd.s32 s0, s3;
	s0 =	sld [smem:$0x3FAE]  }
0x30: {  	s3 =	sld [smem:$0x3FB1]  }
0x31: {  	[smem:$0x3FBA] =	sst s10  }
0x32: {  	s10 =	sld [smem:$0x3FB8];
	_ =	sdelay $0x3  }
0x33: {  	p0 =	seq.s32 s10, $0x1;
	s10 =	sld [smem:$0x3FBA];
	_ =	sdelay $0x3  }
0x34: {  	[smem:$0x3FBA] =	sst s10  }
0x35: {  	s10 =	sld [smem:$0x3FB9];
	_ =	sdelay $0x3  }
0x36: {  	p1 =	seq.s32 s10, $0x1;
	s10 =	sld [smem:$0x3FBA];
	_ =	sdelay $0x3  }
0x37: {  	[smem:$0x3FBA] =	sst s10  }
0x38: {  	s10 =	sld [smem:$0x3FBB]  }
0x39: {  	_ = 	snop;
	(pc) =	sbr.ind lr, $3  }
0x3a: {  	_ = 	snop  }
0x3b: {  	_ = 	snop  }
0x3c: {  	p2 =	seq.s32 s10, $0x1;
	s10 =	sld [smem:$0x3FBA]  }
0x3d: {  	_ =	shalt  }
0x3e: {  	_ =	shalt  }
0x3f: {  	_ =	shalt  }
0x40: {  	_ =	shalt  }
0x41: {  	_ =	shalt  }
0x42: {  	_ =	shalt  }
0x43: {  	_ =	shalt  }
0x44: {  	_ =	shalt  }
0x45: {  	_ =	shalt  }
0x46: {  	_ =	shalt  }
0x47: {  	_ =	shalt  }
0x48: {  	_ =	shalt  }
0x49: {  	_ =	shalt  }
0x4a: {  	_ =	shalt  }
0x4b: {  	_ =	shalt  }
0x4c: {  	_ =	shalt  }
0x4d: {  	_ =	shalt  }
0x4e: {  	_ =	shalt  }
0x4f: {  	_ =	shalt  }
0x50: {  	_ =	shalt  }
0x51: {  	_ =	shalt  }
0x52: {  	_ =	shalt  }
0x53: {  	_ =	shalt  }
0x54: {  	_ =	shalt  }
0x55: {  	_ =	shalt  }
0x56: {  	_ =	shalt  }
0x57: {  	_ =	shalt  }
0x58: {  	_ =	shalt  }
0x59: {  	_ =	shalt  }
0x5a: {  	_ =	shalt  }
0x5b: {  	_ =	shalt  }
0x5c: {  	_ =	shalt  }
0x5d: {  	_ =	shalt  }
0x5e: {  	_ =	shalt  }
0x5f: {  	_ =	shalt  }
0x60: {  	_ =	shalt  }
0x61: {  	_ =	shalt  }
0x62: {  	_ =	shalt  }
0x63: {  	_ =	shalt  }
0x64: {  	_ =	shalt  }
0x65: {  	_ =	shalt  }
0x66: {  	_ =	shalt  }
0x67: {  	_ =	shalt  }
0x68: {  	_ =	shalt  }
0x69: {  	_ =	shalt  }
0x6a: {  	_ =	shalt  }
0x6b: {  	_ =	shalt  }
0x6c: {  	_ =	shalt  }
0x6d: {  	_ =	shalt  }
0x6e: {  	_ =	shalt  }
0x6f: {  	_ =	shalt  }
0x70: {  	_ =	shalt  }
0x71: {  	_ =	shalt  }
0x72: {  	_ =	shalt  }
0x73: {  	_ =	shalt  }
0x74: {  	_ =	shalt  }
0x75: {  	_ =	shalt  }
0x76: {  	_ =	shalt  }
0x77: {  	_ =	shalt  }
0x78: {  	_ =	shalt  }
0x79: {  	_ =	shalt  }
0x7a: {  	_ =	shalt  }
0x7b: {  	_ =	shalt  }
0x7c: {  	_ =	shalt  }
0x7d: {  	_ =	shalt  }
0x7e: {  	_ =	shalt  }
0x7f: {  	_ =	shalt  }
0x80: {  	_ =	shalt  }
0x81: {  	_ =	shalt  }
0x82: {  	_ =	shalt  }
0x83: {  	_ =	shalt  }
0x84: {  	_ =	shalt  }
0x85: {  	_ =	shalt  }
0x86: {  	_ =	shalt  }
0x87: {  	_ =	shalt  }
.Lfunc_end0:
.L_simem_size_0:
called_computation.1_lowered:
.L_overlay_start_0:
0x88: {  	s2 =	sld [smem:$0x3FD9]  }
0x89: {  	s3 =	sld [smem:$0x3FFE];
	_ =	sdelay $0x1  }
0x8a: {  	s1 =	srdreg.scid  }
0x8b: {  	s0 =	sand.u32 $0x1, s1  }
0x8c: {  	s17 =	sshll.u32 s0, $0xA;
	s2 =	sadd.s32 s3, s2  }
0x8d: {  	s2 =	sadd.s32 s2, s17  }
0x8e: {  	[smem:$0x3FC6] =	sst s2  }
0x8f: {  	_ = 	snop  }
0x90: {  	s2 =	sld [smem:$0x3FD0];
	(tm) =	ssettm $0x1  }
0x91: {  	s18 =	sld [smem:$0x3FFB];
	_ =	sdelay $0x3  }
0x92: {  	_ =	strace s18  }
0x93: {  	s3 =	sld [smem:$0x3FFC];
	_ =	sdelay $0x3  }
0x94: {  	_ =	strace s3  }
0x95: {  	s3 =	sld [smem:$0x3FFD];
	_ =	sdelay $0x3  }
0x96: {  	_ =	strace s3  }
0x97: {  	_ =	strace $0x8FFFFFFF  }
0x98: {  	s19 =	sld [smem:$0x3FDB];
	_ =	sdelay $0x1  }
0x99: {  	s4 =	simm.s32 $_scs_section_size  }
0x9a: {  	s5 =	simm.s32 $_size__tile_overlayer_lowered;
	s6 =	simm.s32 $_tile_overlayer_lowered  }
0x9b: {  	s22 =	simm.s32 $0x1BFF;
	s21 =	sshll.u32 s6, $0x1;
	s3 =	sadd.s32 s4, s19  }
0x9c: {  	s7 =	simm.s32 $0x0;
	s20 =	sshll.u32 s5, $0x1;
	s5 =	sadd.s32 s21, s3  }
0x9d: {  	[timem:s7], [sflag:s22] =	dma.local [hbm:s5], s20  }
0x9e: {  	_ =	swait.ge [sflag:s22], s20  }
0x9f: {  	s4 =	ssub.s32 $0x0, s20;
	[sflag:s22] =	ssyncset.done $0x0  }
0xa0: {  	[sflag:s22] =	ssyncadd.s32 s4;
	_ =	sdelay $0x1  }
0xa1: {  	s23 =	simm.s32 $0x1B8B  }
0xa2: {  	_ =	swait.ge [sflag:s23], $0x1  }
0xa3: {  	[sflag:s23] =	ssyncset.done $0x0  }
0xa4: {  	s25 =	simm.s32 $0x1B8E;
	s24 =	sld [smem:$0x3FFE];
	[sflag:s23] =	ssyncadd.s32 $0xFFFFFFFF  }
0xa5: {  	s26 =	simm.s32 $execute0_lowered;
	[smem:$0x3FD2] =	sst s25  }
0xa6: {  	s5 =	sshll.u32 s26, $0x1;
	_ =	strace $0x80000046;
	[dreg:$0x1] =	wrdreg $0xFFFFFFFF  }
0xa7: {  	s28 =	simm.s32 $_size_execute0_lowered;
	s3 =	sadd.s32 s3, s5;
	[dreg:$0x0] =	wrdreg $0x0  }
0xa8: {  	s5 =	sshll.u32 s28, $0x1;
	[dreg:$0x2] =	wrdreg s3  }
0xa9: {  	[dreg:$0x3] =	wrdreg s5  }
0xaa: {  	[dreg:$0x4] =	wrdreg $0xC0  }
0xab: {  	_ =	task [dreg:s7], $0x5FFFF  }
0xac: {  	[dreg:$0x1] =	wrdreg $0xFFFFFFFF  }
0xad: {  	[dreg:$0x0] =	wrdreg $0x60  }
0xae: {  	[dreg:$0x2] =	wrdreg s24  }
0xaf: {  	[dreg:$0x3] =	wrdreg s2  }
0xb0: {  	[dreg:$0x4] =	wrdreg $0x9  }
0xb1: {  	_ =	task.clear_ibuf [dreg:s7], $0x5FFFF;
	_ =	strace $0x90000046  }
0xb2: {  	s29 =	simm.s32 $0x9;
	_ =	strace $0x80000048  }
0xb3: {  	_ =	swait.ge [sflag:s29], $0x1  }
0xb4: {  	[sflag:s29] =	ssyncadd.s32 $0xFFFFFFFF  }
0xb5: {  	_ =	strace $0x90000048  }
0xb6: {  	_ =	sfence  }
0xb7: {  	s30 =	sld [smem:$0x0];
	_ =	sdelay $0x2  }
0xb8: {  	s31 =	sshll.u32 s1, $0xD;
	s1 =	sshrl.u32 s1, $0x2  }
0xb9: {  	s3 =	sand.u32 $0x4000, s31;
	s1 =	sadd.s32 s1, s30  }
0xba: {  	s0 =	sor.u32 s3, s0;
	s1 =	sshll.u32 s1, $0x11  }
0xbb: {  	s0 =	sor.u32 s1, s0  }
0xbc: {  	s0 =	sadd.s32 $0x8F2B, s0  }
0xbd: {  	[sflag:s0] =	ssyncadd.remote.s32 $0x1  }
0xbe: {  	_ =	sfence.sel $0xFFFF  }
0xbf: {  	[dreg:$0x0] =	wrdreg $0xFFFFFFFF;
	(pc) =	sbr.abs _section_cstart, $3  }
0xc0: {  	[dreg:$0x1] =	wrdreg $0xFFFFFFFF  }
0xc1: {  	_ =	task.clear_ibuf [dreg:s7], $0x2FFFF;
	_ =	strace $0x9FFFFFFF  }
0xc2: {  	(tm) =	ssettm $0x7FFFFFFF  }
0xc3: {  	_ =	shalt  }
tec
execute0_lowered:
.L_overlay_start_1:
0x0: {  	(tag) =	ssettag $0x1  }
0x1: {  	s0 =	rddreg [dreg:$0x0]  }
0x2: {  	s1 =	rddreg [dreg:$0x1];
	s3 =	srdreg.scid;
	s2 =	simm.s32 $0x0  }
0x3: {  	s10 =	stileid.u32;
	s29 =	simm.s32 $0x8400;
	s31 =	simm.s32 $0x6400  }
0x4: {  	s13 =	simm.s32 $0x7;
	s3 =	sand.u32 $0x1, s3;
	[smem:$0x7FF] =	sst s2  }
0x5: {  	s4 =	sshll.u32 s10, $0x8;
	s11 =	sadd.s32 $0xA00, s0;
	s6 =	sadd.s32 $0xC00, s0  }
0x6: {  	s26 =	sshll.u32 s10, $0xB;
	s10 =	simm.s32 $0xE400;
	s5 =	sshll.u32 s3, $0x7  }
0x7: {  	_ =	strace $0x80000047;
	s7 =	ssub.s32 $0x2, s3;
	s28 =	sshll.u32 s3, $0xA  }
0x8: {  	s5 =	sor.u32 s5, s4;
	s4 =	sadd.s32 $0xF42E00, s0;
	s9 =	sshrl.u32 s7, $0x1  }
0x9: {  	s8 =	sshrl.u32 s5, $0x3;
	s15 =	ssub.s32 s7, s9;
	s23 =	sor.u32 $0xC000, s5  }
0xa: {  	s24 =	sor.u32 $0xA000, s5;
	s25 =	sor.u32 $0x8000, s5;
	s30 =	sor.u32 $0x6000, s5  }
0xb: {  	s7 =	simm.s32 $0x3;
	s16 =	sadd.s32 s8, s6;
	[dreg:$0xc] =	wrdreg s25  }
0xc: {  	s9 =	simm.s32 $0x4;
	s12 =	sadd.s32 s11, s8;
	[dreg:$0x4] =	wrdreg s16  }
0xd: {  	s0 =	smax.u32 s15, $0x1;
	s15 =	sshrl.u32 s23, $0x3;
	[dreg:$0x3] =	wrdreg s12  }
0xe: {  	s8 =	simm.s32 $0xA400;
	s17 =	sadd.s32 $0x400, s12;
	[dreg:$0xb] =	wrdreg s0  }
0xf: {  	s18 =	sadd.s32 $0x600, s12;
	s19 =	sadd.s32 $0x800, s12;
	[dreg:$0x5] =	wrdreg s17  }
0x10: {  	s20 =	sadd.s32 $0xA00, s12;
	s21 =	sadd.s32 $0xC00, s12;
	[dreg:$0x6] =	wrdreg s18  }
0x11: {  	s22 =	sadd.s32 $0xE00, s12;
	s16 =	sshrl.u32 s24, $0x3;
	[dreg:$0x7] =	wrdreg s19  }
.Ltmp0:
0x12: {  	s0 =	sadd.s32 s26, s1;
	[dreg:$0x8] =	wrdreg s20;
	(pc) =	sbr.rel .LBB2_1-.Ltmp0, $4  }
0x13: {  	s26 =	simm.s32 $0x200;
	s1 =	simm.s32 $0x1;
	[dreg:$0x9] =	wrdreg s21  }
0x14: {  	s24 =	simm.s32 $0x2;
	s12 =	simm.s32 $0x0;
	[dreg:$0xa] =	wrdreg s22  }
0x15: {  	s18 =	sadd.s32 s28, s0;
	s19 =	sshrl.u32 s30, $0x3;
	s20 =	simm.s32 $0x9  }
0x16: {  	s22 =	simm.s32 $0x100;
	s0 =	simm.s32 $0xC400;
	s21 =	simm.s32 $0x2400  }
.LBB2_4:
0x17: {  	s3 =	simm.s32 $0x5  }
0x18: {  	_ =	swait.ge [sflag:s3], $0x2000  }
0x19: {  	[sflag:s3] =	ssyncset.done $0x0  }
0x1a: {  	[sflag:s3] =	ssyncadd.s32 $0xFFFFE000  }
0x1b: {  	_ =	swait.ge [sflag:s3], $0x2000  }
0x1c: {  	[sflag:s3] =	ssyncset.done $0x0  }
0x1d: {  	s28 =	simm.s32 $0x6;
	[sflag:s3] =	ssyncadd.s32 $0xFFFFE000  }
0x1e: {  	_ =	swait.ge [sflag:s28], $0x2000  }
0x1f: {  	[sflag:s28] =	ssyncset.done $0x0  }
0x20: {  	[sflag:s28] =	ssyncadd.s32 $0xFFFFE000  }
0x21: {  	_ =	swait.ge [sflag:s28], $0x2000  }
0x22: {  	[sflag:s28] =	ssyncset.done $0x0  }
0x23: {  	[sflag:s28] =	ssyncadd.s32 $0xFFFFE000  }
0x24: {  	_ =	swait.ge [sflag:s13], $0x2000  }
0x25: {  	[sflag:s13] =	ssyncset.done $0x0  }
0x26: {  	[sflag:s13] =	ssyncadd.s32 $0xFFFFE000  }
0x27: {  	_ =	swait.ge [sflag:s13], $0x2000  }
0x28: {  	[sflag:s13] =	ssyncset.done $0x0  }
0x29: {  	s5 =	simm.s32 $0x8;
	[sflag:s13] =	ssyncadd.s32 $0xFFFFE000  }
0x2a: {  	_ =	swait.ge [sflag:s5], $0x2000  }
0x2b: {  	[sflag:s5] =	ssyncset.done $0x0  }
0x2c: {  	[sflag:s5] =	ssyncadd.s32 $0xFFFFE000  }
0x2d: {  	_ =	swait.ge [sflag:s5], $0x2000  }
0x2e: {  	s12 =	rddreg [dreg:$0xd]  }
0x2f: {  	s30 =	rddreg [dreg:$0xb];
	s12 =	sadd.s32 $0x1, s12  }
0x30: {  	p0 =	sne.s32 s12, s30  }
.Ltmp1:
0x31: {  	_ = 	snop;
	(pc) =	sbr.rel @!p0 .LBB2_5-.Ltmp1, $3  }
0x32: {  	_ =	sdelay $0x1  }
0x33: {  	[sflag:s5] =	ssyncset.done $0x0  }
0x34: {  	[sflag:s5] =	ssyncadd.s32 $0xFFFFE000  }
.LBB2_1:
0x35: {  	[dreg:$0xd] =	wrdreg s12  }
0x36: {  	s3 =	rddreg [dreg:$0x3]  }
0x37: {  	[tilespmem:s2], [sflag:$0x9] =	stream.linear.gather [hbm4b:s3+s2], $0x80, $0x38;
	[tilespmem:$0x10400] =	vst v63  }
0x38: {  	_ =	swait.ge [sflag:s20], $0x80  }
0x39: {  	[sflag:s20] =	ssyncset.done $0x0  }
0x3a: {  	s5 =	simm.s32 $0x80;
	s12 =	rddreg [dreg:$0x4];
	[sflag:s20] =	ssyncadd.s32 $0xFFFFFF80  }
0x3b: {  	[tilespmem:s5], [sflag:$0x9] =	stream.linear.gather [hbm4b:s12+s2], $0x80, $0x38;
	[tilespmem:$0x10400] =	vst v63  }
0x3c: {  	_ =	swait.ge [sflag:s20], $0x80  }
0x3d: {  	[sflag:s20] =	ssyncset.done $0x0  }
0x3e: {  	s14 =	simm.s32 $0x400;
	[sflag:s20] =	ssyncadd.s32 $0xFFFFFF80  }
0x3f: {  	[tilespmem:s14], [sflag:$0x1] =	stream.indirect.gather [hbm4b:s4+s22], $0x40, s2, s22, $0xb8;
	[tilespmem:$0x10400] =	vst v63  }
0x40: {  	s17 =	rddreg [dreg:$0x5]  }
0x41: {  	[tilespmem:s22], [sflag:$0x9] =	stream.linear.gather [hbm4b:s17+s2], $0x80, $0x38;
	[tilespmem:$0x10400] =	vst v63  }
0x42: {  	_ =	swait.ge [sflag:s20], $0x80  }
0x43: {  	[sflag:s20] =	ssyncset.done $0x0  }
0x44: {  	s25 =	simm.s32 $0x180;
	s23 =	rddreg [dreg:$0x6];
	[sflag:s20] =	ssyncadd.s32 $0xFFFFFF80  }
0x45: {  	[tilespmem:s25], [sflag:$0x9] =	stream.linear.gather [hbm4b:s23+s2], $0x80, $0x38;
	[tilespmem:$0x10400] =	vst v63  }
0x46: {  	_ =	swait.ge [sflag:s20], $0x80  }
0x47: {  	[sflag:s20] =	ssyncset.done $0x0  }
0x48: {  	s28 =	simm.s32 $0x4400;
	[sflag:s20] =	ssyncadd.s32 $0xFFFFFF80  }
0x49: {  	[tilespmem:s28], [sflag:$0x2] =	stream.indirect.gather [hbm4b:s4+s22], $0x40, s22, s22, $0xb8;
	[tilespmem:$0x10400] =	vst v63  }
0x4a: {  	s5 =	rddreg [dreg:$0x7]  }
0x4b: {  	[tilespmem:s26], [sflag:$0x9] =	stream.linear.gather [hbm4b:s5+s2], $0x80, $0x38;
	[tilespmem:$0x10400] =	vst v63  }
0x4c: {  	_ =	swait.ge [sflag:s20], $0x80  }
0x4d: {  	[sflag:s20] =	ssyncset.done $0x0  }
0x4e: {  	s14 =	simm.s32 $0x280;
	s12 =	rddreg [dreg:$0x8];
	[sflag:s20] =	ssyncadd.s32 $0xFFFFFF80  }
0x4f: {  	[tilespmem:s14], [sflag:$0x9] =	stream.linear.gather [hbm4b:s12+s2], $0x80, $0x38;
	[tilespmem:$0x10400] =	vst v63  }
0x50: {  	_ =	swait.ge [sflag:s20], $0x80  }
0x51: {  	[sflag:s20] =	ssyncset.done $0x0  }
0x52: {  	[sflag:s20] =	ssyncadd.s32 $0xFFFFFF80  }
0x53: {  	[tilespmem:s29], [sflag:$0x3] =	stream.indirect.gather [hbm4b:s4+s22], $0x40, s26, s22, $0xb8;
	[tilespmem:$0x10400] =	vst v63  }
0x54: {  	s23 =	simm.s32 $0x300;
	s17 =	rddreg [dreg:$0x9]  }
0x55: {  	[tilespmem:s23], [sflag:$0x9] =	stream.linear.gather [hbm4b:s17+s2], $0x80, $0x38;
	[tilespmem:$0x10400] =	vst v63  }
0x56: {  	_ =	swait.ge [sflag:s20], $0x80  }
0x57: {  	[sflag:s20] =	ssyncset.done $0x0  }
0x58: {  	s28 =	simm.s32 $0x380;
	s25 =	rddreg [dreg:$0xa];
	[sflag:s20] =	ssyncadd.s32 $0xFFFFFF80  }
0x59: {  	[tilespmem:s28], [sflag:$0x9] =	stream.linear.gather [hbm4b:s25+s2], $0x80, $0x38;
	[tilespmem:$0x10400] =	vst v63  }
0x5a: {  	_ =	swait.ge [sflag:s20], $0x80  }
0x5b: {  	s30 =	simm.s32 $0x0;
	[sflag:s20] =	ssyncset.done $0x0  }
0x5c: {  	s3 =	smov.u32 s11;
	s5 =	rddreg [dreg:$0xc];
	[sflag:s20] =	ssyncadd.s32 $0xFFFFFF80  }
0x5d: {  	[tilespmem:s0], [sflag:$0x4] =	stream.indirect.gather [hbm4b:s4+s22], $0x40, s23, s22, $0xb8;
	[tilespmem:$0x10400] =	vst v63  }
.LBB2_2:
0x5e: {  	_ =	swait.ge [sflag:s1], $0x4000  }
0x5f: {  	s12 =	sadd.s32 s30, s18;
	[sflag:s1] =	ssyncset.done $0x0  }
0x60: {  	s14 =	simm.s32 $0x400;
	p0 =	seq.s32 s30, $0x0;
	[sflag:s1] =	ssyncadd.s32 $0xFFFFC000  }
0x61: {  	[hbm4b:s12+s2] =	stream.linear.scatter [tilespmem:s14], [sflag:$0x5], $0x2000, $0x38;
	[tilespmem:$0x10400] =	vst v63  }
0x62: {  	s28 =	sadd.s32 $0x8000, s12;
	s14 =	simm.s32 @!p0 $0x8  }
0x63: {  	[hbm4b:s28+s2] =	stream.linear.scatter [tilespmem:s21], [sflag:$0x5], $0x2000, $0x38;
	[tilespmem:$0x10400] =	vst v63  }
0x64: {  	_ =	swait.ge @!p0 [sflag:s14], $0x2000  }
0x65: {  	[sflag:s14] =	ssyncset.done @!p0 $0x0  }
0x66: {  	[sflag:s14] =	ssyncadd.s32 @!p0 $0xFFFFE000  }
0x67: {  	_ =	swait.ge @!p0 [sflag:s14], $0x2000  }
0x68: {  	s17 =	simm.s32 @!p0 $0x0;
	s23 =	simm.s32 @!p0 $0x9;
	[sflag:s14] =	ssyncset.done @!p0 $0x0  }
0x69: {  	s28 =	simm.s32 @!p0 $0x300;
	[sflag:s14] =	ssyncadd.s32 @!p0 $0xFFFFE000;
	s14 =	sadd.s32 @!p0 s3, s19  }
0x6a: {  	[tilespmem:s28], [sflag:$0x9] =	stream.linear.gather @!p0 [hbm4b:s14+s17], $0x80, $0x38;
	[tilespmem:$0x10400] =	vst v63  }
0x6b: {  	_ =	swait.ge @!p0 [sflag:s23], $0x80  }
0x6c: {  	[sflag:s23] =	ssyncset.done @!p0 $0x0  }
0x6d: {  	s25 =	simm.s32 @!p0 $0x380;
	s14 =	sadd.s32 @!p0 $0x200, s14;
	[sflag:s23] =	ssyncadd.s32 @!p0 $0xFFFFFF80  }
0x6e: {  	[tilespmem:s25], [sflag:$0x9] =	stream.linear.gather @!p0 [hbm4b:s14+s17], $0x80, $0x38;
	[tilespmem:$0x10400] =	vst v63  }
0x6f: {  	_ =	swait.ge @!p0 [sflag:s23], $0x80  }
0x70: {  	[sflag:s23] =	ssyncset.done @!p0 $0x0  }
0x71: {  	s14 =	simm.s32 @!p0 $0x100;
	s17 =	simm.s32 @!p0 $0xC400;
	[sflag:s23] =	ssyncadd.s32 @!p0 $0xFFFFFF80  }
0x72: {  	[tilespmem:s17], [sflag:$0x4] =	stream.indirect.gather @!p0 [hbm4b:s4+s14], $0x40, s28, s14, $0xb8;
	[tilespmem:$0x10400] =	vst v63  }
0x73: {  	_ =	swait.ge [sflag:s24], $0x4000  }
0x74: {  	s23 =	simm.s32 $0x4400;
	[sflag:s24] =	ssyncset.done $0x0  }
0x75: {  	s17 =	sadd.s32 $0x10000, s12;
	p0 =	seq.s32 s30, $0x600000;
	[sflag:s24] =	ssyncadd.s32 $0xFFFFC000  }
0x76: {  	[hbm4b:s17+s2] =	stream.linear.scatter [tilespmem:s23], [sflag:$0x6], $0x2000, $0x38;
	[tilespmem:$0x10400] =	vst v63  }
0x77: {  	s25 =	sadd.s32 $0x18000, s12;
	s14 =	simm.s32 @!p0 $0x5  }
0x78: {  	[hbm4b:s25+s2] =	stream.linear.scatter [tilespmem:s31], [sflag:$0x6], $0x2000, $0x38;
	[tilespmem:$0x10400] =	vst v63  }
0x79: {  	_ =	swait.ge @!p0 [sflag:s14], $0x2000  }
0x7a: {  	[sflag:s14] =	ssyncset.done @!p0 $0x0  }
0x7b: {  	[sflag:s14] =	ssyncadd.s32 @!p0 $0xFFFFE000  }
0x7c: {  	_ =	swait.ge @!p0 [sflag:s14], $0x2000  }
0x7d: {  	s17 =	sshrl.u32 @!p0 s5, $0x3;
	[sflag:s14] =	ssyncset.done @!p0 $0x0  }
0x7e: {  	s23 =	simm.s32 @!p0 $0x0;
	[sflag:s14] =	ssyncadd.s32 @!p0 $0xFFFFE000;
	s14 =	sadd.s32 @!p0 s11, s17  }
0x7f: {  	[tilespmem:s23], [sflag:$0x9] =	stream.linear.gather @!p0 [hbm4b:s14+s23], $0x80, $0x38;
	[tilespmem:$0x10400] =	vst v63  }
0x80: {  	s14 =	simm.s32 @!p0 $0x9  }
0x81: {  	_ =	swait.ge @!p0 [sflag:s14], $0x80  }
0x82: {  	[sflag:s14] =	ssyncset.done @!p0 $0x0  }
0x83: {  	s25 =	simm.s32 @!p0 $0x80;
	s17 =	sadd.s32 @!p0 s17, s6;
	[sflag:s14] =	ssyncadd.s32 @!p0 $0xFFFFFF80  }
0x84: {  	[tilespmem:s25], [sflag:$0x9] =	stream.linear.gather @!p0 [hbm4b:s17+s23], $0x80, $0x38;
	[tilespmem:$0x10400] =	vst v63  }
0x85: {  	_ =	swait.ge @!p0 [sflag:s14], $0x80  }
0x86: {  	[sflag:s14] =	ssyncset.done @!p0 $0x0  }
0x87: {  	s17 =	simm.s32 @!p0 $0x100;
	s25 =	simm.s32 @!p0 $0x400;
	[sflag:s14] =	ssyncadd.s32 @!p0 $0xFFFFFF80  }
0x88: {  	[tilespmem:s25], [sflag:$0x1] =	stream.indirect.gather @!p0 [hbm4b:s4+s17], $0x40, s23, s17, $0xb8;
	[tilespmem:$0x10400] =	vst v63  }
0x89: {  	_ =	swait.ge [sflag:s7], $0x4000  }
0x8a: {  	[sflag:s7] =	ssyncset.done $0x0  }
0x8b: {  	s28 =	sadd.s32 $0x20000, s12;
	[sflag:s7] =	ssyncadd.s32 $0xFFFFC000  }
0x8c: {  	[hbm4b:s28+s2] =	stream.linear.scatter [tilespmem:s29], [sflag:$0x7], $0x2000, $0x38;
	[tilespmem:$0x10400] =	vst v63  }
0x8d: {  	s25 =	simm.s32 @!p0 $0x6;
	s28 =	sadd.s32 $0x28000, s12  }
0x8e: {  	[hbm4b:s28+s2] =	stream.linear.scatter [tilespmem:s8], [sflag:$0x7], $0x2000, $0x38;
	[tilespmem:$0x10400] =	vst v63  }
0x8f: {  	_ =	swait.ge @!p0 [sflag:s25], $0x2000  }
0x90: {  	[sflag:s25] =	ssyncset.done @!p0 $0x0  }
0x91: {  	[sflag:s25] =	ssyncadd.s32 @!p0 $0xFFFFE000  }
0x92: {  	_ =	swait.ge @!p0 [sflag:s25], $0x2000  }
0x93: {  	[sflag:s25] =	ssyncset.done @!p0 $0x0  }
0x94: {  	[sflag:s25] =	ssyncadd.s32 @!p0 $0xFFFFE000;
	s25 =	sadd.s32 @!p0 s3, s16  }
0x95: {  	[tilespmem:s17], [sflag:$0x9] =	stream.linear.gather @!p0 [hbm4b:s25+s23], $0x80, $0x38;
	[tilespmem:$0x10400] =	vst v63  }
0x96: {  	_ =	swait.ge @!p0 [sflag:s14], $0x80  }
0x97: {  	[sflag:s14] =	ssyncset.done @!p0 $0x0  }
0x98: {  	s28 =	simm.s32 @!p0 $0x180;
	s25 =	sadd.s32 @!p0 $0x200, s25;
	[sflag:s14] =	ssyncadd.s32 @!p0 $0xFFFFFF80  }
0x99: {  	[tilespmem:s28], [sflag:$0x9] =	stream.linear.gather @!p0 [hbm4b:s25+s23], $0x80, $0x38;
	[tilespmem:$0x10400] =	vst v63  }
0x9a: {  	_ =	swait.ge @!p0 [sflag:s14], $0x80  }
0x9b: {  	[sflag:s14] =	ssyncset.done @!p0 $0x0  }
0x9c: {  	[sflag:s14] =	ssyncadd.s32 @!p0 $0xFFFFFF80;
	s14 =	simm.s32 @!p0 $0x4400  }
0x9d: {  	[tilespmem:s14], [sflag:$0x2] =	stream.indirect.gather @!p0 [hbm4b:s4+s17], $0x40, s17, s17, $0xb8;
	[tilespmem:$0x10400] =	vst v63  }
0x9e: {  	_ =	swait.ge [sflag:s9], $0x4000  }
.Ltmp2:
0x9f: {  	[sflag:s9] =	ssyncset.done $0x0;
	(pc) =	sbr.rel @p0 .LBB2_4-.Ltmp2, $4  }
0xa0: {  	s28 =	sadd.s32 $0x30000, s12;
	[sflag:s9] =	ssyncadd.s32 $0xFFFFC000  }
0xa1: {  	[hbm4b:s28+s2] =	stream.linear.scatter [tilespmem:s0], [sflag:$0x8], $0x2000, $0x38;
	[tilespmem:$0x10400] =	vst v63  }
0xa2: {  	s12 =	sadd.s32 $0x38000, s12  }
0xa3: {  	[hbm4b:s12+s2] =	stream.linear.scatter [tilespmem:s10], [sflag:$0x8], $0x2000, $0x38;
	[tilespmem:$0x10400] =	vst v63  }
0xa4: {  	_ =	swait.ge [sflag:s13], $0x2000  }
0xa5: {  	[sflag:s13] =	ssyncset.done $0x0  }
0xa6: {  	[sflag:s13] =	ssyncadd.s32 $0xFFFFE000  }
0xa7: {  	_ =	swait.ge [sflag:s13], $0x2000  }
0xa8: {  	[sflag:s13] =	ssyncset.done $0x0  }
0xa9: {  	s12 =	sadd.s32 s3, s15;
	[sflag:s13] =	ssyncadd.s32 $0xFFFFE000  }
0xaa: {  	[tilespmem:s26], [sflag:$0x9] =	stream.linear.gather [hbm4b:s12+s2], $0x80, $0x38;
	[tilespmem:$0x10400] =	vst v63  }
0xab: {  	_ =	swait.ge [sflag:s20], $0x80  }
0xac: {  	[sflag:s20] =	ssyncset.done $0x0  }
0xad: {  	s14 =	simm.s32 $0x280;
	s12 =	sadd.s32 $0x200, s12;
	[sflag:s20] =	ssyncadd.s32 $0xFFFFFF80  }
0xae: {  	[tilespmem:s14], [sflag:$0x9] =	stream.linear.gather [hbm4b:s12+s2], $0x80, $0x38;
	[tilespmem:$0x10400] =	vst v63  }
.Ltmp3:
0xaf: {  	_ = 	snop;
	(pc) =	sbr.rel .LBB2_2-.Ltmp3, $4  }
0xb0: {  	_ =	swait.ge [sflag:s20], $0x80  }
0xb1: {  	s3 =	sadd.s32 $0x1000, s3;
	[sflag:s20] =	ssyncset.done $0x0  }
0xb2: {  	s5 =	sadd.s32 $0x8000, s5;
	s30 =	sadd.s32 $0x40000, s30;
	[sflag:s20] =	ssyncadd.s32 $0xFFFFFF80  }
0xb3: {  	[tilespmem:s29], [sflag:$0x3] =	stream.indirect.gather [hbm4b:s4+s22], $0x40, s26, s22, $0xb8;
	[tilespmem:$0x10400] =	vst v63  }
.LBB2_5:
0xb4: {  	_ =	sfence.sel $0x180000  }
0xb5: {  	[bflag:$0x0] =	sbarrier.arrive $0xFFFF  }
0xb6: {  	_ =	strace $0x90000047  }
0xb7: {  	s0 =	stileid.u32;
	[bflag:$0x2] =	sbarrier.arrive $0xFFFF  }
0xb8: {  	p0 =	sne.s32 s0, $0x0;
	s0 =	rddreg [dreg:$0x2]  }
0xb9: {  	s0 =	sadd.s32 @!p0 $0x100000, s0  }
0xba: {  	[sflag:s0] =	ssyncadd.tile.s32 @!p0 $0x1;
	_ =	shalt  }
.Lfunc_end2:
_tile_overlayer_lowered:
.L_overlay_start_2:
0xbb: {  	(tag) =	ssettag $0x2  }
0xbc: {  	s0 =	rddreg [dreg:$0x0];
	s2 =	stileid.u32  }
0xbd: {  	s1 =	rddreg [dreg:$0x1];
	p0 =	sne.s32 s2, $0x0  }
0xbe: {  	s3 =	rddreg [dreg:$0x2];
	[bflag:$0x3] =	sbarrier.arrive $0xFFFF;
	s2 =	simm.s32 @!p0 $0x1C09  }
0xbf: {  	[timem:s3], [sflag:s2] =	dma.local @!p0 [hbm:s0], s1  }
0xc0: {  	s0 =	simm.s32 @!p0 $0x9  }
0xc1: {  	_ =	swait.ge @!p0 [sflag:s0], s1  }
0xc2: {  	s1 =	ssub.s32 @!p0 $0x0, s1;
	[sflag:s0] =	ssyncset.done @!p0 $0x0  }
0xc3: {  	[sflag:s0] =	ssyncadd.s32 @!p0 s1  }
0xc4: {  	[bflag:$0x3] =	sbarrier.arrive $0xFFFF  }
0xc5: {  	_ =	shalt  }

// kernel: sparse-core-data-format-call.cloned.1.call-start
scs
called_computation_lowered:
.L_overlay_start_0:
0x0: {  	s2 =	sld [smem:$0x3FD9]  }
0x1: {  	s3 =	sld [smem:$0x3FFE];
	_ =	sdelay $0x1  }
0x2: {  	s1 =	srdreg.scid  }
0x3: {  	s0 =	sand.u32 $0x1, s1  }
0x4: {  	s18 =	sshll.u32 s0, $0xA;
	s2 =	sadd.s32 s3, s2  }
0x5: {  	s2 =	sadd.s32 s2, s18  }
0x6: {  	[smem:$0x3FC6] =	sst s2  }
0x7: {  	_ = 	snop  }
0x8: {  	s2 =	sld [smem:$0x3FD0];
	(tm) =	ssettm $0x1  }
0x9: {  	s19 =	sld [smem:$0x3FFB];
	_ =	sdelay $0x3  }
0xa: {  	_ =	strace s19  }
0xb: {  	s3 =	sld [smem:$0x3FFC];
	_ =	sdelay $0x3  }
0xc: {  	_ =	strace s3  }
0xd: {  	s3 =	sld [smem:$0x3FFD];
	_ =	sdelay $0x3  }
0xe: {  	_ =	strace s3  }
0xf: {  	_ =	strace $0x8FFFFFFF  }
0x10: {  	s20 =	sld [smem:$0x3FDB];
	_ =	sdelay $0x1  }
0x11: {  	s4 =	simm.s32 $_scs_section_size  }
0x12: {  	s5 =	simm.s32 $_size__tile_overlayer_lowered;
	s6 =	simm.s32 $_tile_overlayer_lowered  }
0x13: {  	s23 =	simm.s32 $0x1BFF;
	s22 =	sshll.u32 s6, $0x1;
	s3 =	sadd.s32 s4, s20  }
0x14: {  	s7 =	simm.s32 $0x0;
	s21 =	sshll.u32 s5, $0x1;
	s5 =	sadd.s32 s22, s3  }
0x15: {  	[timem:s7], [sflag:s23] =	dma.local [hbm:s5], s21  }
0x16: {  	_ =	swait.ge [sflag:s23], s21  }
0x17: {  	s4 =	ssub.s32 $0x0, s21;
	[sflag:s23] =	ssyncset.done $0x0  }
0x18: {  	[sflag:s23] =	ssyncadd.s32 s4;
	_ =	sdelay $0x1  }
0x19: {  	s24 =	simm.s32 $0x1B8B  }
0x1a: {  	_ =	swait.ge [sflag:s24], $0x1  }
0x1b: {  	[sflag:s24] =	ssyncset.done $0x0  }
0x1c: {  	s26 =	simm.s32 $0x1B8E;
	s25 =	sld [smem:$0x3FFE];
	[sflag:s24] =	ssyncadd.s32 $0xFFFFFFFF  }
0x1d: {  	s27 =	simm.s32 $execute0_lowered;
	[smem:$0x3FD2] =	sst s26  }
0x1e: {  	s5 =	sshll.u32 s27, $0x1;
	_ =	strace $0x80000049;
	[dreg:$0x1] =	wrdreg $0xFFFFFFFF  }
0x1f: {  	s28 =	simm.s32 $_size_execute0_lowered;
	s3 =	sadd.s32 s3, s5;
	[dreg:$0x0] =	wrdreg $0x0  }
0x20: {  	s5 =	sshll.u32 s28, $0x1;
	[dreg:$0x2] =	wrdreg s3  }
0x21: {  	[dreg:$0x3] =	wrdreg s5  }
0x22: {  	[dreg:$0x4] =	wrdreg $0xC0  }
0x23: {  	_ =	task [dreg:s7], $0x5FFFF  }
0x24: {  	[dreg:$0x1] =	wrdreg $0xFFFFFFFF  }
0x25: {  	[dreg:$0x0] =	wrdreg $0x60  }
0x26: {  	[dreg:$0x2] =	wrdreg s25  }
0x27: {  	[dreg:$0x3] =	wrdreg s2  }
0x28: {  	[dreg:$0x4] =	wrdreg $0x9  }
0x29: {  	_ =	task.clear_ibuf [dreg:s7], $0x5FFFF;
	_ =	strace $0x90000049  }
0x2a: {  	s29 =	simm.s32 $0x9;
	_ =	strace $0x8000004B  }
0x2b: {  	_ =	swait.ge [sflag:s29], $0x1  }
0x2c: {  	[sflag:s29] =	ssyncadd.s32 $0xFFFFFFFF  }
0x2d: {  	_ =	strace $0x9000004B  }
0x2e: {  	_ =	sfence  }
0x2f: {  	s30 =	sld [smem:$0x0];
	_ =	sdelay $0x2  }
0x30: {  	s31 =	sshll.u32 s1, $0xD;
	s1 =	sshrl.u32 s1, $0x2  }
0x31: {  	s3 =	sand.u32 $0x4000, s31;
	s1 =	sadd.s32 s1, s30  }
0x32: {  	s0 =	sor.u32 s3, s0;
	s1 =	sshll.u32 s1, $0x11  }
0x33: {  	s0 =	sor.u32 s1, s0  }
0x34: {  	s0 =	sadd.s32 $0x8F2B, s0  }
0x35: {  	[sflag:s0] =	ssyncadd.remote.s32 $0x1  }
0x36: {  	_ =	sfence.sel $0xFFFF  }
0x37: {  	[dreg:$0x0] =	wrdreg $0xFFFFFFFF;
	(pc) =	sbr.abs _section_cstart, $3  }
0x38: {  	[dreg:$0x1] =	wrdreg $0xFFFFFFFF  }
0x39: {  	_ =	task.clear_ibuf [dreg:s7], $0x2FFFF;
	_ =	strace $0x9FFFFFFF  }
0x3a: {  	(tm) =	ssettm $0x7FFFFFFF  }
0x3b: {  	_ =	shalt  }
tec
execute0_lowered:
.L_overlay_start_1:
0x0: {  	(tag) =	ssettag $0x1  }
0x1: {  	s0 =	srdreg.scid  }
0x2: {  	s1 =	sshll.u32 s0, $0x4  }
0x3: {  	s5 =	rddreg [dreg:$0x0];
	s0 =	stileid.u32;
	s1 =	sand.u32 $0x10, s1  }
0x4: {  	s3 =	rddreg [dreg:$0x1];
	s31 =	simm.s32 $0x2;
	s4 =	sor.u32 s0, s1  }
0x5: {  	s13 =	simm.s32 $0x0;
	s9 =	simm.s32 $0x400;
	s2 =	sshll.u32 s4, $0x7  }
0x6: {  	s10 =	simm.s32 $0x8000;
	s14 =	simm.s32 $0x0;
	s6 =	ssub.s32 $0x1000, s2  }
0x7: {  	s1 =	rddreg [dreg:$0x2];
	_ =	strace $0x8000004A;
	s7 =	sand.u32 $0xF80, s6  }
0x8: {  	s4 =	sshll.u32 s4, $0xB;
	p0 =	sne.s32 s7, $0x0;
	s7 =	simm.s32 $0x1  }
.Ltmp0:
0x9: {  	s6 =	sshrl.u32 s6, $0xC;
	s7 =	simm.s32 @!p0 $0x0;
	(pc) =	sbr.rel .LBB1_1-.Ltmp0, $4  }
0xa: {  	s8 =	sadd.s32 s4, s5;
	s4 =	simm.s32 $0x1;
	s30 =	sadd.s32 s7, s6  }
0xb: {  	s11 =	simm.s32 $0x0;
	[sflag:s4] =	ssyncpa.u1 $0x0;
	s5 =	smul.u32 $0x64, s30  }
0xc: {  	s12 =	simm.s32 $0x0;
	[sflag:s31] =	ssyncpa.u1 $0x0;
	p0 =	por $0x0, $0x0  }
0xd: {  	s6 =	sadd.s32 $0xA00, s8;
	s7 =	sadd.s32 $0x10A00, s8;
	s8 =	sor.u32 $0x1, s5  }
.LBB1_7:
0xe: {  	s15 =	sadd.s32 $0x2, s11  }
0xf: {  	p2 =	sgt.s32 s15, $0xC7  }
0x10: {  	s15 =	simm.s32 @p2 $0x0;
	p2 =	sne.s32 s12, s8  }
.Ltmp1:
0x11: {  	p1 =	slt.u32 s12, $0x2;
	(pc) =	sbr.rel @!p2 .LBB1_8-.Ltmp1, $4  }
0x12: {  	s13 =	simm.s32 @!p1 $0x2  }
0x13: {  	s16 =	sadd.s32 $0x1, s12;
	s14 =	smov.u32 s11;
	_ =	swait.ge @!p1 [sflag:s13], $0x4000  }
0x14: {  	p0 =	por !p0, !p0;
	s12 =	smov.u32 s16;
	[sflag:s13] =	ssyncset.done @!p1 $0x0  }
0x15: {  	s11 =	smov.u32 s15;
	[sflag:s13] =	ssyncadd.s32 @!p1 $0xFFFFC000;
	s13 =	smov.u32 s2  }
.LBB1_1:
0x16: {  	p1 =	sge.u32 s12, s5  }
0x17: {  	s15 =	sxor.u32 @!p1 $0xFFFFFFFF, s12  }
0x18: {  	s16 =	sshll.u32 @!p1 s11, $0x10;
	s18 =	simm.s32 @!p1 $0x40;
	s15 =	sshll.u32 @!p1 s15, $0xE  }
0x19: {  	s19 =	simm.s32 @!p1 $0x80;
	s17 =	sadd.s32 @!p1 s16, s6;
	s15 =	sand.u32 @!p1 $0x4000, s15  }
0x1a: {  	[tilespmem:s15], [sflag:$0x1] =	stream.strided.gather @!p1 [hbm4b:s17+s18], $0x2000, s19, s18, $0x38;
	[tilespmem:$0x10100] =	vst v63  }
0x1b: {  	s31 =	sadd.s32 $0xFFFFFFFF, s12;
	s16 =	sadd.s32 @!p1 s16, s7;
	s15 =	sor.u32 @!p1 $0x2000, s15  }
0x1c: {  	[tilespmem:s15], [sflag:$0x1] =	stream.strided.gather @!p1 [hbm4b:s16+s18], $0x2000, s19, s18, $0x38;
	[tilespmem:$0x10100] =	vst v63  }
0x1d: {  	p1 =	sge.u32 s31, s5  }
.Ltmp2:
0x1e: {  	_ = 	snop;
	(pc) =	sbr.rel @p1 .LBB1_7-.Ltmp2, $1  }
0x1f: {  	_ =	sdelay $0x3  }
0x20: {  	s15 =	simm.s32 $0x1;
	s17 =	sand.u32 $0x1, s12  }
0x21: {  	_ =	swait.ge [sflag:s4], $0x4000;
	s15 =	simm.s32 @!p0 $0x0;
	s17 =	smul.u32 $0x10200, s17  }
0x22: {  	p2 =	por $0x1, $0x1;
	[sflag:s4] =	ssyncset.done $0x0;
	s16 =	smul.u32 $0x10200, s15  }
0x23: {  	s18 =	sshll.u32 s15, $0x10;
	[sflag:s4] =	ssyncadd.s32 $0xFFFFC000;
	s30 =	sshrl.u32 s17, $0x2  }
0x24: {  	s31 =	sshrl.u32 s18, $0x2;
	s18 =	simm.s32 $0x0;
	s16 =	sshrl.u32 s16, $0x2  }
0x25: {  	s15 =	sor.u32 $0x8000, s30;
	s17 =	sadd.s32 $0x20, s31;
	s16 =	sor.u32 $0x8000, s16  }
.LBB1_3:
0x26: {  	s19 =	sshll.u32 s18, $0xD  }
0x27: {  	s19 =	sand.u32 $0x3FFFE000, s19  }
0x28: {  	s21 =	sadd.s32 s19, s17  }
0x29: {  	s31 =	smul.u32 $0x8100, s18;
	v3 =	vld [tilespmem:s21+$0x10]  }
0x2a: {  	v1 =	vld [tilespmem:s21+$0xFFFFFFF0]  }
0x2b: {  	s18 =	sshra.s32 s31, $0x2;
	v0 =	vld [tilespmem:s21+$0x0]  }
0x2c: {  	s18 =	sadd.s32 s18, s16;
	v2 =	vld [tilespmem:s21+$0xFFFFFFE0]  }
0x2d: {  	s19 =	sadd.s32 $0x0, s18  }
0x2e: {  	p1 =	por p2, p2;
	s20 =	simm.s32 $0x4;
	s21 =	sadd.s32 $0x40, s21;
	[tilespmem:s19+$0x1830 ss:$0x81] =	vst.msk $0xffff, v3  }
.LBB1_4:
0x2f: {  	v3 =	vld [tilespmem:s21+$0x10];
	p2 =	sne.s32 s20, $0x1FC;
	[tilespmem:s19+$0x810 ss:$0x81] =	vst.msk $0xffff, v1;
	s22 =	smov.u32 s20;
	s20 =	sadd.s32 $0x4, s20  }
.Ltmp3:
0x30: {  	v1 =	vld [tilespmem:s21+$0xFFFFFFF0];
	[tilespmem:s19+$0x1020 ss:$0x81] =	vst.msk $0xffff, v0;
	(pc) =	sbr.rel @p2 .LBB1_4-.Ltmp3, $4  }
0x31: {  	v0 =	vld [tilespmem:s21+$0x0];
	[tilespmem:s19+$0x0 ss:$0x81] =	vst.msk $0xffff, v2  }
0x32: {  	s19 =	sshra.s32 s22, $0x2;
	v2 =	vld [tilespmem:s21+$0xFFFFFFE0]  }
0x33: {  	s19 =	sadd.s32 s19, s18  }
0x34: {  	s21 =	sadd.s32 $0x40, s21;
	[tilespmem:s19+$0x1830 ss:$0x81] =	vst.msk $0xffff, v3  }
.Ltmp4:
0x35: {  	(pc) =	sbr.rel @p1 .LBB1_3-.Ltmp4, $4  }
0x36: {  	_ = 	snop  }
0x37: {  	[tilespmem:s19+$0x810 ss:$0x81] =	vst.msk $0xffff, v1  }
0x38: {  	[tilespmem:s19+$0x1020 ss:$0x81] =	vst.msk $0xffff, v0  }
0x39: {  	s18 =	simm.s32 $0x1;
	p2 =	por $0x0, $0x0;
	[tilespmem:s19+$0x0 ss:$0x81] =	vst.msk $0xffff, v2  }
.Ltmp5:
0x3a: {  	(pc) =	sbr.rel .LBB1_7-.Ltmp5, $4  }
0x3b: {  	s14 =	sshll.u32 s14, $0xF  }
0x3c: {  	s14 =	sadd.s32 s3, s14  }
0x3d: {  	s13 =	sadd.s32 s13, s14  }
0x3e: {  	[hbm4b:s13+s9] =	stream.strided.scatter [tilespmem:s15], [sflag:$0x2], $0x4000, s10, s9, $0x20;
	[tilespmem:$0x10100] =	vst v63  }
.LBB1_8:
0x3f: {  	_ =	sfence.sel $0x180000  }
0x40: {  	s2 =	simm.s32 $0x1;
	[bflag:$0x0] =	sbarrier.arrive $0xFFFF  }
0x41: {  	s31 =	simm.s32 $0x2;
	[sflag:s2] =	ssyncpa.u1 $0x1  }
0x42: {  	[sflag:s31] =	ssyncpa.u1 $0x1  }
0x43: {  	p0 =	sne.s32 s0, $0x0;
	_ =	strace $0x9000004A  }
0x44: {  	s0 =	sadd.s32 @!p0 $0x100000, s1;
	[bflag:$0x2] =	sbarrier.arrive $0xFFFF  }
0x45: {  	[sflag:s0] =	ssyncadd.tile.s32 @!p0 $0x1;
	_ =	shalt  }
.Lfunc_end1:
_tile_overlayer_lowered:
.L_overlay_start_2:
0x46: {  	(tag) =	ssettag $0x2  }
0x47: {  	s0 =	rddreg [dreg:$0x0];
	s2 =	stileid.u32  }
0x48: {  	s1 =	rddreg [dreg:$0x1];
	p0 =	sne.s32 s2, $0x0  }
0x49: {  	s3 =	rddreg [dreg:$0x2];
	[bflag:$0x3] =	sbarrier.arrive $0xFFFF;
	s2 =	simm.s32 @!p0 $0x1C01  }
0x4a: {  	[timem:s3], [sflag:s2] =	dma.local @!p0 [hbm:s0], s1  }
0x4b: {  	s0 =	simm.s32 @!p0 $0x1  }
0x4c: {  	_ =	swait.ge @!p0 [sflag:s0], s1  }
0x4d: {  	s1 =	ssub.s32 @!p0 $0x0, s1;
	[sflag:s0] =	ssyncset.done @!p0 $0x0  }
0x4e: {  	[sflag:s0] =	ssyncadd.s32 @!p0 s1  }
0x4f: {  	[bflag:$0x3] =	sbarrier.arrive $0xFFFF  }
0x50: {  	_ =	shalt  }

</sc_bundles>
